<compile_context>
chip_gen: v7x
topology: tpu7x:2x2x1
jax: 0.10.2.dev20260603
libtpu: 0.0.44.dev20260713+nightly
codegen_flags: <defaults>
</compile_context>

<pallas_src>
import functools

import jax
import jax.numpy as jnp
from jax import lax
from jax.experimental import pallas as pl
from jax.experimental.pallas import tpu as pltpu
from jax.experimental.pallas import tpu_sc as plsc

N_TOKENS = 8192
N_CODES = 8192
DIM = 32
CHUNK = 1024
NSTEPS = N_TOKENS // CHUNK
SCHUNK = 1024
NSTEPS_S = N_CODES // SCHUNK
STILE = 512
AROWS = 256
BETA_C = 0.25

_PREC = lax.Precision.DEFAULT
_DN = (((1,), (1,)), ((), ()))
_DN_ROW = (((1,), (0,)), ((), ()))


def _vq_prep(w_ref, wn_ref, sq_ref):
    w = w_ref[...]
    ww = w * w
    n = jnp.sqrt(jnp.sum(ww, axis=1, keepdims=True))
    wn_ref[...] = w / jnp.maximum(n, 1e-12)
    ones_row = jnp.ones((1, DIM), jnp.float32)
    sq_ref[...] = lax.dot_general(ones_row, ww, _DN,
                                  precision=lax.Precision.HIGHEST,
                                  preferred_element_type=jnp.float32)


def _vq_assign(lat_ref, wn_ref, idx_ref, summax_ref):
    i = pl.program_id(0)

    @pl.when(i == 0)
    def _init():
        summax_ref[0, 0] = jnp.float32(0.0)

    lat = lat_ref[...]
    ln = lat / jnp.maximum(
        jnp.sqrt(jnp.sum(lat * lat, axis=1, keepdims=True)), 1e-12)
    wn = wn_ref[...]
    ssum = jnp.float32(0.0)
    for r in range(CHUNK // AROWS):
        lr = ln[r * AROWS:(r + 1) * AROWS, :]
        cos = lax.dot_general(lr, wn, _DN, precision=_PREC,
                              preferred_element_type=jnp.float32)
        m = jnp.max(cos, axis=1)
        idx = jnp.argmax(cos, axis=1).astype(jnp.int32)
        idx_ref[0, 0, r * AROWS:(r + 1) * AROWS] = idx
        ssum += jnp.sum(m)
    summax_ref[0, 0] += ssum


def _vq_stats(w_ref, sq_ref, dsum_ref, dmin_ref):
    i = pl.program_id(0)
    w = w_ref[...]

    @pl.when(i == 0)
    def _init():
        dsum_ref[0, 0] = jnp.float32(0.0)
        dmin_ref[0, 0] = jnp.float32(jnp.inf)

    wc = w_ref[pl.ds(i * SCHUNK, SCHUNK), :]
    wc2 = wc * jnp.float32(-2.0)
    sqc = jnp.sum(wc * wc, axis=1, keepdims=True)
    dsum = jnp.float32(0.0)
    dmin = jnp.float32(jnp.inf)
    for t in range(N_CODES // STILE):
        wt = w_ref[pl.ds(t * STILE, STILE), :]
        sqt = sq_ref[:, pl.ds(t * STILE, STILE)]
        g2 = lax.dot_general(wc2, wt, _DN, precision=_PREC,
                             preferred_element_type=jnp.float32)
        d2 = jnp.maximum((sqc + sqt) + g2, 1e-30)
        dsum += jnp.sum(d2 * lax.rsqrt(d2))
        dmin = jnp.minimum(
            dmin, jnp.min(jnp.where(d2 > jnp.float32(0.02), d2, jnp.inf)))
    dsum_ref[0, 0] += dsum
    dmin_ref[0, 0] = jnp.minimum(dmin_ref[0, 0], dmin)


_SC_NC = 2
_SC_NS = 16
_B_PER_W = N_TOKENS // (_SC_NC * _SC_NS)
_KCH = 128
_NCH = _B_PER_W // _KCH
_CROWS = N_CODES // _SC_NS
_CLANE = 16

_sc_mesh = plsc.VectorSubcoreMesh(core_axis_name="c", subcore_axis_name="s",
                                  num_cores=_SC_NC, num_subcores=_SC_NS)


@functools.partial(
    pl.kernel,
    out_type=[
        jax.ShapeDtypeStruct((N_TOKENS, DIM), jnp.float32),
        jax.ShapeDtypeStruct((_SC_NC, N_CODES, _CLANE), jnp.float32),
    ],
    mesh=_sc_mesh,
    scratch_types=[
        pltpu.VMEM((_NCH, _KCH), jnp.int32),
        pltpu.VMEM((_B_PER_W, DIM), jnp.float32),
        pltpu.VMEM((_KCH, _CLANE), jnp.float32),
        pltpu.VMEM((_CROWS, _CLANE), jnp.float32),
        pltpu.VMEM_SHARED((N_CODES, _CLANE), jnp.float32),
        pltpu.SemaphoreType.DMA,
    ],
    compiler_params=pltpu.CompilerParams(use_tc_tiling_on_sc=False),
)
def _sc_gather_hist(w_hbm, idx_hbm, q_hbm, cnt_hbm,
                    idx_v, rows_v, ones_v, zero_v, shared_cnt, sem):
    c = lax.axis_index("c")
    s = lax.axis_index("s")
    wid = s * _SC_NC + c
    base = wid * _B_PER_W

    pltpu.sync_copy(idx_hbm.at[pl.ds(wid * _NCH, _NCH)], idx_v)
    cps = [pltpu.async_copy(w_hbm.at[idx_v.at[j]],
                            rows_v.at[pl.ds(j * _KCH, _KCH)], sem)
           for j in range(_NCH)]

    zvec = jnp.zeros((_CLANE,), jnp.float32)
    ovec = jnp.ones((_CLANE,), jnp.float32)

    def _fill_zero(i, carry):
        zero_v[i, :] = zvec
        return carry

    lax.fori_loop(0, _CROWS, _fill_zero, 0)

    def _fill_one(i, carry):
        ones_v[i, :] = ovec
        return carry

    lax.fori_loop(0, _KCH, _fill_one, 0)

    pltpu.sync_copy(zero_v, shared_cnt.at[pl.ds(s * _CROWS, _CROWS)])
    plsc.subcore_barrier()
    for j in range(_NCH):
        pltpu.sync_copy(ones_v, shared_cnt.at[idx_v.at[j]], add=True)
    plsc.subcore_barrier()
    pltpu.sync_copy(shared_cnt.at[pl.ds(s * _CROWS, _CROWS)],
                    cnt_hbm.at[c, pl.ds(s * _CROWS, _CROWS)])

    for cp in cps:
        cp.wait()
    pltpu.sync_copy(rows_v, q_hbm.at[pl.ds(base, _B_PER_W)])


def _vq_epilogue(lat_ref, q_ref, cnt0_ref, cnt1_ref,
                 summax_ref, dsum_ref, dmin_ref,
                 commit_ref, codebook_ref, perp_ref, sel_ref, avg_ref,
                 min_ref):
    diff = lat_ref[...] - q_ref[...]
    mse = jnp.sum(diff * diff) / jnp.float32(N_TOKENS * DIM)
    commit_ref[0, 0] = jnp.float32(BETA_C) * mse
    codebook_ref[0, 0] = mse
    p = (cnt0_ref[...] + cnt1_ref[...]) / jnp.float32(N_TOKENS)
    ent = -jnp.sum(p * jnp.log(p + 1e-10)) / jnp.float32(_CLANE)
    perp_ref[0, 0] = jnp.exp(ent)
    sel_ref[0, 0] = summax_ref[0, 0] / jnp.float32(N_TOKENS)
    avg_ref[0, 0] = dsum_ref[0, 0] / jnp.float32(N_CODES * (N_CODES - 1))
    min_ref[0, 0] = jnp.sqrt(jnp.maximum(dmin_ref[0, 0], 0.0))


@jax.jit
def kernel(latent, W):
    B, S, D = latent.shape
    flat = latent.reshape(N_TOKENS, DIM)

    smem11 = pl.BlockSpec(memory_space=pltpu.SMEM)
    wn, sq = pl.pallas_call(
        _vq_prep,
        in_specs=[pl.BlockSpec((N_CODES, DIM), lambda: (0, 0))],
        out_specs=[
            pl.BlockSpec((N_CODES, DIM), lambda: (0, 0)),
            pl.BlockSpec((1, N_CODES), lambda: (0, 0)),
        ],
        out_shape=[
            jax.ShapeDtypeStruct((N_CODES, DIM), jnp.float32),
            jax.ShapeDtypeStruct((1, N_CODES), jnp.float32),
        ],
    )(W)

    idx3, summax = pl.pallas_call(
        _vq_assign,
        grid=(NSTEPS,),
        in_specs=[
            pl.BlockSpec((CHUNK, DIM), lambda i: (i, 0)),
            pl.BlockSpec((N_CODES, DIM), lambda i: (0, 0)),
        ],
        out_specs=[
            pl.BlockSpec((1, 1, CHUNK), lambda i: (i, 0, 0)),
            smem11,
        ],
        out_shape=[
            jax.ShapeDtypeStruct((NSTEPS, 1, CHUNK), jnp.int32),
            jax.ShapeDtypeStruct((1, 1), jnp.float32),
        ],
        compiler_params=pltpu.CompilerParams(
            dimension_semantics=("arbitrary",)),
    )(flat, wn)

    qflat, cnt2 = _sc_gather_hist(W, idx3.reshape(N_TOKENS // 128, 128))

    dsum, dmin = pl.pallas_call(
        _vq_stats,
        grid=(NSTEPS_S,),
        in_specs=[
            pl.BlockSpec((N_CODES, DIM), lambda i: (0, 0)),
            pl.BlockSpec((1, N_CODES), lambda i: (0, 0)),
        ],
        out_specs=[smem11, smem11],
        out_shape=[
            jax.ShapeDtypeStruct((1, 1), jnp.float32),
            jax.ShapeDtypeStruct((1, 1), jnp.float32),
        ],
        compiler_params=pltpu.CompilerParams(
            dimension_semantics=("arbitrary",)),
    )(W, sq)

    cnt2 = cnt2.reshape(_SC_NC, N_CODES * _CLANE // 128, 128)
    commit, codebook, perp, sel, avg, mind = pl.pallas_call(
        _vq_epilogue,
        in_specs=[
            pl.BlockSpec((N_TOKENS, DIM), lambda: (0, 0)),
            pl.BlockSpec((N_TOKENS, DIM), lambda: (0, 0)),
            pl.BlockSpec((N_CODES * _CLANE // 128, 128), lambda: (0, 0)),
            pl.BlockSpec((N_CODES * _CLANE // 128, 128), lambda: (0, 0)),
            smem11,
            smem11,
            smem11,
        ],
        out_specs=[smem11] * 6,
        out_shape=[jax.ShapeDtypeStruct((1, 1), jnp.float32)] * 6,
    )(flat, qflat, cnt2[0], cnt2[1], summax, dsum, dmin)

    indices = idx3.reshape(N_TOKENS)
    quantized_st = qflat.reshape(B, S, D)
    return (quantized_st, indices, commit[0, 0], codebook[0, 0],
            perp[0, 0], sel[0, 0], avg[0, 0], mind[0, 0])

# --- scband reference (transcript-rebuilt; emitter-appended) ---
"""Pipeline reference for scband-vector-quantizer-26551487824069 (READ-ONLY COPY).

The authoritative reference and input builder live on the scoring server;
editing this copy changes nothing except your own understanding.
"""

import jax, jax.numpy as jnp
import numpy as np

NUM_TOKENS = 8192
LATENT_DIM = 32
BETA = 0.25
TEMPERATURE = 1.0


def _normalize(x, eps=1e-12):
    n = jnp.linalg.norm(x, axis=-1, keepdims=True)
    return x / jnp.maximum(n, eps)


def setup_inputs(seed: int = 0):
    key = jax.random.key(seed)
    k1, k2 = jax.random.split(key)
    latent = jax.random.normal(k1, (8, 1024, LATENT_DIM), dtype=jnp.float32)
    limit = float(np.sqrt(6.0 / (NUM_TOKENS + LATENT_DIM)))
    W = jax.random.uniform(k2, (NUM_TOKENS, LATENT_DIM), minval=-limit, maxval=limit, dtype=jnp.float32)
    W = _normalize(W)
    return {"latent": latent, "W": W}


def reference(latent, W):
    B, S, D = latent.shape
    flat_input = latent.reshape(-1, D)
    latent_normalized = _normalize(flat_input)
    codebook_normalized = _normalize(W)
    cosine_sim = latent_normalized @ codebook_normalized.T
    distances = 2.0 - 2.0 * cosine_sim
    scaled_distances = distances / jnp.maximum(jnp.float32(TEMPERATURE), 1e-06)
    soft_assign = jax.nn.softmax(-scaled_distances, axis=-1)
    indices = jnp.argmax(soft_assign, axis=-1)
    hard_assign = jax.nn.one_hot(indices, NUM_TOKENS, dtype=jnp.float32)
    assign = hard_assign + soft_assign - jax.lax.stop_gradient(soft_assign)
    selected_cosine_sim = jnp.mean(jnp.take_along_axis(cosine_sim, indices[:, None], axis=1)[:, 0])
    # torch.cdist(codebook, codebook) with off-diagonal stats
    sq = jnp.sum(W * W, axis=-1)
    d2 = sq[:, None] + sq[None, :] - 2.0 * (W @ W.T)
    codebook_distances = jnp.sqrt(jnp.maximum(d2, 0.0))
    offdiag = ~jnp.eye(NUM_TOKENS, dtype=bool)
    n_off = NUM_TOKENS * (NUM_TOKENS - 1)
    avg_euclidean = jnp.sum(jnp.where(offdiag, codebook_distances, 0.0)) / n_off
    min_euclidean = jnp.min(jnp.where(offdiag, codebook_distances, jnp.inf))
    quantized = (assign @ W).reshape(B, S, D)
    commitment_loss = BETA * jnp.mean((jax.lax.stop_gradient(latent) - quantized) ** 2)
    codebook_loss = jnp.mean((latent - jax.lax.stop_gradient(quantized)) ** 2)
    quantized_st = latent + jax.lax.stop_gradient(quantized - latent)
    avg_probs = jnp.mean(hard_assign, axis=0)
    perplexity = jnp.exp(-jnp.sum(avg_probs * jnp.log(avg_probs + 1e-10)))
    return (quantized_st, indices, commitment_loss, codebook_loss, perplexity, selected_cosine_sim, avg_euclidean, min_euclidean)

if __name__ == "__main__":
    import jax
    _d = setup_inputs()
    print(jax.jit(kernel)(*tuple(_d.values())))

</pallas_src>

<mosaic_0001>
#map = affine_map<(d0, d1) -> (0, 0)>
#map1 = affine_map<(d0, d1) -> (0, 0, 0)>
module attributes {stable_mosaic.version = 14 : i64} {
  func.func @_sc_gather_hist(%arg0: i32, %arg1: i32, %arg2: memref<8192x32xf32, #tpu.memory_space<hbm>>, %arg3: memref<64x128xi32, #tpu.memory_space<hbm>>, %arg4: memref<8192x32xf32, #tpu.memory_space<hbm>>, %arg5: memref<2x8192x16xf32, #tpu.memory_space<hbm>>, %arg6: memref<2x128xi32, #tpu.memory_space<vmem>>, %arg7: memref<256x32xf32, #tpu.memory_space<vmem>>, %arg8: memref<128x16xf32, #tpu.memory_space<vmem>>, %arg9: memref<512x16xf32, #tpu.memory_space<vmem>>, %arg10: memref<8192x16xf32, #tpu.memory_space<vmem_shared>>, %arg11: memref<!tpu.dma_semaphore, #tpu.memory_space<semaphore_mem>>) attributes {dimension_semantics = [#tpu.dimension_semantics<core_parallel>, #tpu.dimension_semantics<subcore_parallel>], iteration_bounds = array<i64: 2, 16>, scalar_prefetch = 0 : i64, scratch_operands = 6 : i64, tpu.core_type = #tpu.core_type<sc_vector_subcore>, window_params = [{transform_indices = #map}, {transform_indices = #map}, {transform_indices = #map}, {transform_indices = #map1}]} {
    %mul3A = arith.constant 2 : i32
    %mul3A_0 = arith.muli %arg1, %mul3A : i32
    %add3A = arith.addi %mul3A_0, %arg0 : i32
    %mul3A_1 = arith.constant 256 : i32
    %mul3A_2 = arith.muli %add3A, %mul3A_1 : i32
    %mul3A_3 = arith.constant 2 : i32
    %mul3A_4 = arith.muli %add3A, %mul3A_3 : i32
    "tpu.region"() ({
      %run_scoped3A_65 = tpu.sem_alloc : memref<!tpu.dma_semaphore, #tpu.memory_space<semaphore_mem>>
      %dma_start3A_66 = arith.constant 0 : i32
      %dma_start3A_67 = tpu.memref_slice %arg3[%mul3A_4, %dma_start3A_66] : memref<64x128xi32, #tpu.memory_space<hbm>> -> memref<2x128xi32, #tpu.memory_space<hbm>>
      %dma_start3A_68 = arith.constant 0 : i32
      %dma_start3A_69 = tpu.memref_slice %arg3[%mul3A_4, %dma_start3A_68] : memref<64x128xi32, #tpu.memory_space<hbm>> -> memref<2x128xi32, #tpu.memory_space<hbm>>
      tpu.enqueue_dma source(%dma_start3A_69 : memref<2x128xi32, #tpu.memory_space<hbm>>) target(%arg6 : memref<2x128xi32, #tpu.memory_space<vmem>>) target_semaphore(%run_scoped3A_65 : memref<!tpu.dma_semaphore, #tpu.memory_space<semaphore_mem>>)
      %dma_wait3A_70 = arith.constant 0 : i32
      %dma_wait3A_71 = tpu.memref_slice %arg3[%mul3A_4, %dma_wait3A_70] : memref<64x128xi32, #tpu.memory_space<hbm>> -> memref<2x128xi32, #tpu.memory_space<hbm>>
      %dma_wait3A_72 = arith.constant 0 : i32
      %dma_wait3A_73 = tpu.memref_slice %arg3[%mul3A_4, %dma_wait3A_72] : memref<64x128xi32, #tpu.memory_space<hbm>> -> memref<2x128xi32, #tpu.memory_space<hbm>>
      tpu.wait_dma2 semaphore(%run_scoped3A_65 : memref<!tpu.dma_semaphore, #tpu.memory_space<semaphore_mem>>) src(%dma_wait3A_73 : memref<2x128xi32, #tpu.memory_space<hbm>>) dst(%arg6 : memref<2x128xi32, #tpu.memory_space<vmem>>)
      tpu.yield
    }) : () -> ()
    %dma_start3A = arith.constant 0 : i32
    %dma_start3A_5 = arith.constant 0 : i32
    %dma_start3A_6 = arith.constant 0 : i32
    %dma_start3A_7 = tpu.memref_slice %arg7[%dma_start3A_5, %dma_start3A_6] : memref<256x32xf32, #tpu.memory_space<vmem>> -> memref<128x32xf32, #tpu.memory_space<vmem>>
    %dma_start3A_8 = arith.constant 0 : i32
    %dma_start3A_9 = tpu.memref_slice %arg6[%dma_start3A, %dma_start3A_8] : memref<2x128xi32, #tpu.memory_space<vmem>> -> memref<1x128xi32, #tpu.memory_space<vmem>>
    %dma_start3A_10 = tpu.memref_squeeze %dma_start3A_9 : memref<1x128xi32, #tpu.memory_space<vmem>> -> memref<128xi32, #tpu.memory_space<vmem>>
    %dma_start3A_11 = arith.constant 0 : i32
    %dma_start3A_12 = arith.constant 0 : i32
    %dma_start3A_13 = tpu.memref_slice %arg2[%dma_start3A_11, %dma_start3A_12] : memref<8192x32xf32, #tpu.memory_space<hbm>> -> memref<8192x32xf32, #tpu.memory_space<hbm>>
    tpu.enqueue_indirect_dma source(%dma_start3A_13 : memref<8192x32xf32, #tpu.memory_space<hbm>>) target(%dma_start3A_7 : memref<128x32xf32, #tpu.memory_space<vmem>>) offsets(%dma_start3A_10 : memref<128xi32, #tpu.memory_space<vmem>>) semaphore(%arg11 : memref<!tpu.dma_semaphore, #tpu.memory_space<semaphore_mem>>)
    %dma_start3A_14 = arith.constant 1 : i32
    %dma_start3A_15 = arith.constant 128 : i32
    %dma_start3A_16 = arith.constant 0 : i32
    %dma_start3A_17 = tpu.memref_slice %arg7[%dma_start3A_15, %dma_start3A_16] : memref<256x32xf32, #tpu.memory_space<vmem>> -> memref<128x32xf32, #tpu.memory_space<vmem>>
    %dma_start3A_18 = arith.constant 0 : i32
    %dma_start3A_19 = tpu.memref_slice %arg6[%dma_start3A_14, %dma_start3A_18] : memref<2x128xi32, #tpu.memory_space<vmem>> -> memref<1x128xi32, #tpu.memory_space<vmem>>
    %dma_start3A_20 = tpu.memref_squeeze %dma_start3A_19 : memref<1x128xi32, #tpu.memory_space<vmem>> -> memref<128xi32, #tpu.memory_space<vmem>>
    %dma_start3A_21 = arith.constant 0 : i32
    %dma_start3A_22 = arith.constant 0 : i32
    %dma_start3A_23 = tpu.memref_slice %arg2[%dma_start3A_21, %dma_start3A_22] : memref<8192x32xf32, #tpu.memory_space<hbm>> -> memref<8192x32xf32, #tpu.memory_space<hbm>>
    tpu.enqueue_indirect_dma source(%dma_start3A_23 : memref<8192x32xf32, #tpu.memory_space<hbm>>) target(%dma_start3A_17 : memref<128x32xf32, #tpu.memory_space<vmem>>) offsets(%dma_start3A_20 : memref<128xi32, #tpu.memory_space<vmem>>) semaphore(%arg11 : memref<!tpu.dma_semaphore, #tpu.memory_space<semaphore_mem>>)
    %broadcast_in_dim3A = arith.constant 0.000000e+00 : f32
    %broadcast_in_dim3A_24 = vector.broadcast %broadcast_in_dim3A : f32 to vector<16xf32>
    %broadcast_in_dim3A_25 = arith.constant 1.000000e+00 : f32
    %broadcast_in_dim3A_26 = vector.broadcast %broadcast_in_dim3A_25 : f32 to vector<16xf32>
    %scan3A = arith.constant 0 : i32
    %scan3A_27 = arith.constant 0 : i32
    %scan3A_28 = arith.constant 512 : i32
    %scan3A_29 = arith.addi %scan3A_27, %scan3A_28 : i32
    %scan3A_30 = arith.constant 1 : i32
    scf.for %scan3A_65 = %scan3A_27 to %scan3A_29 step %scan3A_30  : i32 {
      %swap3A = arith.index_cast %scan3A_65 : i32 to index
      %swap3A_66 = arith.constant 0 : index
      %swap3A_67 = tpu.vector_load %arg9[%swap3A, %swap3A_66] {strides = array<i32>} : memref<512x16xf32, #tpu.memory_space<vmem>>, vector<1x16xf32>,
      %swap3A_68 = vector.shape_cast %swap3A_67 : vector<1x16xf32> to vector<16xf32>
      %swap3A_69 = vector.shape_cast %broadcast_in_dim3A_24 : vector<16xf32> to vector<1x16xf32>
      tpu.vector_store %arg9[%swap3A, %swap3A_66], %swap3A_69 {strides = array<i32>} : memref<512x16xf32, #tpu.memory_space<vmem>>, vector<1x16xf32>,
    }
    %scan3A_31 = arith.constant 512 : i32
    %scan3A_32 = arith.constant 0 : i32
    %scan3A_33 = arith.constant 0 : i32
    %scan3A_34 = arith.constant 128 : i32
    %scan3A_35 = arith.addi %scan3A_33, %scan3A_34 : i32
    %scan3A_36 = arith.constant 1 : i32
    scf.for %scan3A_65 = %scan3A_33 to %scan3A_35 step %scan3A_36  : i32 {
      %swap3A = arith.index_cast %scan3A_65 : i32 to index
      %swap3A_66 = arith.constant 0 : index
      %swap3A_67 = tpu.vector_load %arg8[%swap3A, %swap3A_66] {strides = array<i32>} : memref<128x16xf32, #tpu.memory_space<vmem>>, vector<1x16xf32>,
      %swap3A_68 = vector.shape_cast %swap3A_67 : vector<1x16xf32> to vector<16xf32>
      %swap3A_69 = vector.shape_cast %broadcast_in_dim3A_26 : vector<16xf32> to vector<1x16xf32>
      tpu.vector_store %arg8[%swap3A, %swap3A_66], %swap3A_69 {strides = array<i32>} : memref<128x16xf32, #tpu.memory_space<vmem>>, vector<1x16xf32>,
    }
    %scan3A_37 = arith.constant 128 : i32
    %mul3A_38 = arith.constant 512 : i32
    %mul3A_39 = arith.muli %arg1, %mul3A_38 : i32
    "tpu.region"() ({
      %run_scoped3A_65 = tpu.sem_alloc : memref<!tpu.dma_semaphore, #tpu.memory_space<semaphore_mem>>
      %dma_start3A_66 = arith.constant 0 : i32
      %dma_start3A_67 = tpu.memref_slice %arg10[%mul3A_39, %dma_start3A_66] : memref<8192x16xf32, #tpu.memory_space<vmem_shared>> -> memref<512x16xf32, #tpu.memory_space<vmem_shared>>
      %dma_start3A_68 = arith.constant 0 : i32
      %dma_start3A_69 = tpu.memref_slice %arg10[%mul3A_39, %dma_start3A_68] : memref<8192x16xf32, #tpu.memory_space<vmem_shared>> -> memref<512x16xf32, #tpu.memory_space<vmem_shared>>
      tpu.enqueue_dma source(%arg9 : memref<512x16xf32, #tpu.memory_space<vmem>>) target(%dma_start3A_69 : memref<512x16xf32, #tpu.memory_space<vmem_shared>>) target_semaphore(%run_scoped3A_65 : memref<!tpu.dma_semaphore, #tpu.memory_space<semaphore_mem>>)
      %dma_wait3A_70 = arith.constant 0 : i32
      %dma_wait3A_71 = tpu.memref_slice %arg10[%mul3A_39, %dma_wait3A_70] : memref<8192x16xf32, #tpu.memory_space<vmem_shared>> -> memref<512x16xf32, #tpu.memory_space<vmem_shared>>
      %dma_wait3A_72 = arith.constant 0 : i32
      %dma_wait3A_73 = tpu.memref_slice %arg10[%mul3A_39, %dma_wait3A_72] : memref<8192x16xf32, #tpu.memory_space<vmem_shared>> -> memref<512x16xf32, #tpu.memory_space<vmem_shared>>
      tpu.wait_dma2 semaphore(%run_scoped3A_65 : memref<!tpu.dma_semaphore, #tpu.memory_space<semaphore_mem>>) src(%arg9 : memref<512x16xf32, #tpu.memory_space<vmem>>) dst(%dma_wait3A_73 : memref<512x16xf32, #tpu.memory_space<vmem_shared>>)
      tpu.yield
    }) : () -> ()
    %barrier3A = arith.constant 0 : index
    tpu.barrier barrier_id(%barrier3A)
    %run_scoped3A = arith.constant 0 : i32
    "tpu.region"() ({
      %run_scoped3A_65 = tpu.sem_alloc : memref<!tpu.dma_semaphore, #tpu.memory_space<semaphore_mem>>
      %dma_start3A_66 = arith.constant 0 : i32
      %dma_start3A_67 = tpu.memref_slice %arg6[%run_scoped3A, %dma_start3A_66] : memref<2x128xi32, #tpu.memory_space<vmem>> -> memref<1x128xi32, #tpu.memory_space<vmem>>
      %dma_start3A_68 = tpu.memref_squeeze %dma_start3A_67 : memref<1x128xi32, #tpu.memory_space<vmem>> -> memref<128xi32, #tpu.memory_space<vmem>>
      %dma_start3A_69 = arith.constant 0 : i32
      %dma_start3A_70 = arith.constant 0 : i32
      %dma_start3A_71 = tpu.memref_slice %arg10[%dma_start3A_69, %dma_start3A_70] : memref<8192x16xf32, #tpu.memory_space<vmem_shared>> -> memref<8192x16xf32, #tpu.memory_space<vmem_shared>>
      tpu.enqueue_indirect_dma source(%arg8 : memref<128x16xf32, #tpu.memory_space<vmem>>) target(%dma_start3A_71 : memref<8192x16xf32, #tpu.memory_space<vmem_shared>>) offsets(%dma_start3A_68 : memref<128xi32, #tpu.memory_space<vmem>>) semaphore(%run_scoped3A_65 : memref<!tpu.dma_semaphore, #tpu.memory_space<semaphore_mem>>) {add = true}
      %dma_wait3A_72 = arith.constant 0 : i32
      %dma_wait3A_73 = tpu.memref_slice %arg6[%run_scoped3A, %dma_wait3A_72] : memref<2x128xi32, #tpu.memory_space<vmem>> -> memref<1x128xi32, #tpu.memory_space<vmem>>
      %dma_wait3A_74 = tpu.memref_squeeze %dma_wait3A_73 : memref<1x128xi32, #tpu.memory_space<vmem>> -> memref<128xi32, #tpu.memory_space<vmem>>
      %dma_wait3A_75 = arith.constant 0 : i32
      %dma_wait3A_76 = arith.constant 0 : i32
      %dma_wait3A_77 = tpu.memref_slice %arg10[%dma_wait3A_75, %dma_wait3A_76] : memref<8192x16xf32, #tpu.memory_space<vmem_shared>> -> memref<8192x16xf32, #tpu.memory_space<vmem_shared>>
      tpu.wait_indirect_dma semaphore(%run_scoped3A_65 : memref<!tpu.dma_semaphore, #tpu.memory_space<semaphore_mem>>) src(%arg8 : memref<128x16xf32, #tpu.memory_space<vmem>>) dst(%dma_wait3A_77 : memref<8192x16xf32, #tpu.memory_space<vmem_shared>>)
      tpu.yield
    }) : () -> ()
    %run_scoped3A_40 = arith.constant 1 : i32
    "tpu.region"() ({
      %run_scoped3A_65 = tpu.sem_alloc : memref<!tpu.dma_semaphore, #tpu.memory_space<semaphore_mem>>
      %dma_start3A_66 = arith.constant 0 : i32
      %dma_start3A_67 = tpu.memref_slice %arg6[%run_scoped3A_40, %dma_start3A_66] : memref<2x128xi32, #tpu.memory_space<vmem>> -> memref<1x128xi32, #tpu.memory_space<vmem>>
      %dma_start3A_68 = tpu.memref_squeeze %dma_start3A_67 : memref<1x128xi32, #tpu.memory_space<vmem>> -> memref<128xi32, #tpu.memory_space<vmem>>
      %dma_start3A_69 = arith.constant 0 : i32
      %dma_start3A_70 = arith.constant 0 : i32
      %dma_start3A_71 = tpu.memref_slice %arg10[%dma_start3A_69, %dma_start3A_70] : memref<8192x16xf32, #tpu.memory_space<vmem_shared>> -> memref<8192x16xf32, #tpu.memory_space<vmem_shared>>
      tpu.enqueue_indirect_dma source(%arg8 : memref<128x16xf32, #tpu.memory_space<vmem>>) target(%dma_start3A_71 : memref<8192x16xf32, #tpu.memory_space<vmem_shared>>) offsets(%dma_start3A_68 : memref<128xi32, #tpu.memory_space<vmem>>) semaphore(%run_scoped3A_65 : memref<!tpu.dma_semaphore, #tpu.memory_space<semaphore_mem>>) {add = true}
      %dma_wait3A_72 = arith.constant 0 : i32
      %dma_wait3A_73 = tpu.memref_slice %arg6[%run_scoped3A_40, %dma_wait3A_72] : memref<2x128xi32, #tpu.memory_space<vmem>> -> memref<1x128xi32, #tpu.memory_space<vmem>>
      %dma_wait3A_74 = tpu.memref_squeeze %dma_wait3A_73 : memref<1x128xi32, #tpu.memory_space<vmem>> -> memref<128xi32, #tpu.memory_space<vmem>>
      %dma_wait3A_75 = arith.constant 0 : i32
      %dma_wait3A_76 = arith.constant 0 : i32
      %dma_wait3A_77 = tpu.memref_slice %arg10[%dma_wait3A_75, %dma_wait3A_76] : memref<8192x16xf32, #tpu.memory_space<vmem_shared>> -> memref<8192x16xf32, #tpu.memory_space<vmem_shared>>
      tpu.wait_indirect_dma semaphore(%run_scoped3A_65 : memref<!tpu.dma_semaphore, #tpu.memory_space<semaphore_mem>>) src(%arg8 : memref<128x16xf32, #tpu.memory_space<vmem>>) dst(%dma_wait3A_77 : memref<8192x16xf32, #tpu.memory_space<vmem_shared>>)
      tpu.yield
    }) : () -> ()
    %barrier3A_41 = arith.constant 0 : index
    tpu.barrier barrier_id(%barrier3A_41)
    %mul3A_42 = arith.constant 512 : i32
    %mul3A_43 = arith.muli %arg1, %mul3A_42 : i32
    %mul3A_44 = arith.constant 512 : i32
    %mul3A_45 = arith.muli %arg1, %mul3A_44 : i32
    "tpu.region"() ({
      %run_scoped3A_65 = tpu.sem_alloc : memref<!tpu.dma_semaphore, #tpu.memory_space<semaphore_mem>>
      %dma_start3A_66 = arith.constant 0 : i32
      %dma_start3A_67 = tpu.memref_slice %arg5[%arg0, %mul3A_45, %dma_start3A_66] : memref<2x8192x16xf32, #tpu.memory_space<hbm>> -> memref<1x512x16xf32, #tpu.memory_space<hbm>>
      %dma_start3A_68 = tpu.memref_squeeze %dma_start3A_67 : memref<1x512x16xf32, #tpu.memory_space<hbm>> -> memref<512x16xf32, #tpu.memory_space<hbm>>
      %dma_start3A_69 = arith.constant 0 : i32
      %dma_start3A_70 = tpu.memref_slice %arg10[%mul3A_43, %dma_start3A_69] : memref<8192x16xf32, #tpu.memory_space<vmem_shared>> -> memref<512x16xf32, #tpu.memory_space<vmem_shared>>
      tpu.enqueue_dma source(%dma_start3A_70 : memref<512x16xf32, #tpu.memory_space<vmem_shared>>) target(%dma_start3A_68 : memref<512x16xf32, #tpu.memory_space<hbm>>) target_semaphore(%run_scoped3A_65 : memref<!tpu.dma_semaphore, #tpu.memory_space<semaphore_mem>>)
      %dma_wait3A_71 = arith.constant 0 : i32
      %dma_wait3A_72 = tpu.memref_slice %arg5[%arg0, %mul3A_45, %dma_wait3A_71] : memref<2x8192x16xf32, #tpu.memory_space<hbm>> -> memref<1x512x16xf32, #tpu.memory_space<hbm>>
      %dma_wait3A_73 = tpu.memref_squeeze %dma_wait3A_72 : memref<1x512x16xf32, #tpu.memory_space<hbm>> -> memref<512x16xf32, #tpu.memory_space<hbm>>
      %dma_wait3A_74 = arith.constant 0 : i32
      %dma_wait3A_75 = tpu.memref_slice %arg10[%mul3A_43, %dma_wait3A_74] : memref<8192x16xf32, #tpu.memory_space<vmem_shared>> -> memref<512x16xf32, #tpu.memory_space<vmem_shared>>
      tpu.wait_dma2 semaphore(%run_scoped3A_65 : memref<!tpu.dma_semaphore, #tpu.memory_space<semaphore_mem>>) src(%dma_wait3A_75 : memref<512x16xf32, #tpu.memory_space<vmem_shared>>) dst(%dma_wait3A_73 : memref<512x16xf32, #tpu.memory_space<hbm>>)
      tpu.yield
    }) : () -> ()
    %dma_wait3A = arith.constant 0 : i32
    %dma_wait3A_46 = arith.constant 0 : i32
    %dma_wait3A_47 = arith.constant 0 : i32
    %dma_wait3A_48 = tpu.memref_slice %arg7[%dma_wait3A_46, %dma_wait3A_47] : memref<256x32xf32, #tpu.memory_space<vmem>> -> memref<128x32xf32, #tpu.memory_space<vmem>>
    %dma_wait3A_49 = arith.constant 0 : i32
    %dma_wait3A_50 = tpu.memref_slice %arg6[%dma_wait3A, %dma_wait3A_49] : memref<2x128xi32, #tpu.memory_space<vmem>> -> memref<1x128xi32, #tpu.memory_space<vmem>>
    %dma_wait3A_51 = tpu.memref_squeeze %dma_wait3A_50 : memref<1x128xi32, #tpu.memory_space<vmem>> -> memref<128xi32, #tpu.memory_space<vmem>>
    %dma_wait3A_52 = arith.constant 0 : i32
    %dma_wait3A_53 = arith.constant 0 : i32
    %dma_wait3A_54 = tpu.memref_slice %arg2[%dma_wait3A_52, %dma_wait3A_53] : memref<8192x32xf32, #tpu.memory_space<hbm>> -> memref<8192x32xf32, #tpu.memory_space<hbm>>
    tpu.wait_indirect_dma semaphore(%arg11 : memref<!tpu.dma_semaphore, #tpu.memory_space<semaphore_mem>>) src(%dma_wait3A_54 : memref<8192x32xf32, #tpu.memory_space<hbm>>) dst(%dma_wait3A_48 : memref<128x32xf32, #tpu.memory_space<vmem>>)
    %dma_wait3A_55 = arith.constant 1 : i32
    %dma_wait3A_56 = arith.constant 128 : i32
    %dma_wait3A_57 = arith.constant 0 : i32
    %dma_wait3A_58 = tpu.memref_slice %arg7[%dma_wait3A_56, %dma_wait3A_57] : memref<256x32xf32, #tpu.memory_space<vmem>> -> memref<128x32xf32, #tpu.memory_space<vmem>>
    %dma_wait3A_59 = arith.constant 0 : i32
    %dma_wait3A_60 = tpu.memref_slice %arg6[%dma_wait3A_55, %dma_wait3A_59] : memref<2x128xi32, #tpu.memory_space<vmem>> -> memref<1x128xi32, #tpu.memory_space<vmem>>
    %dma_wait3A_61 = tpu.memref_squeeze %dma_wait3A_60 : memref<1x128xi32, #tpu.memory_space<vmem>> -> memref<128xi32, #tpu.memory_space<vmem>>
    %dma_wait3A_62 = arith.constant 0 : i32
    %dma_wait3A_63 = arith.constant 0 : i32
    %dma_wait3A_64 = tpu.memref_slice %arg2[%dma_wait3A_62, %dma_wait3A_63] : memref<8192x32xf32, #tpu.memory_space<hbm>> -> memref<8192x32xf32, #tpu.memory_space<hbm>>
    tpu.wait_indirect_dma semaphore(%arg11 : memref<!tpu.dma_semaphore, #tpu.memory_space<semaphore_mem>>) src(%dma_wait3A_64 : memref<8192x32xf32, #tpu.memory_space<hbm>>) dst(%dma_wait3A_58 : memref<128x32xf32, #tpu.memory_space<vmem>>)
    "tpu.region"() ({
      %run_scoped3A_65 = tpu.sem_alloc : memref<!tpu.dma_semaphore, #tpu.memory_space<semaphore_mem>>
      %dma_start3A_66 = arith.constant 0 : i32
      %dma_start3A_67 = tpu.memref_slice %arg4[%mul3A_2, %dma_start3A_66] : memref<8192x32xf32, #tpu.memory_space<hbm>> -> memref<256x32xf32, #tpu.memory_space<hbm>>
      %dma_start3A_68 = arith.constant 0 : i32
      %dma_start3A_69 = tpu.memref_slice %arg4[%mul3A_2, %dma_start3A_68] : memref<8192x32xf32, #tpu.memory_space<hbm>> -> memref<256x32xf32, #tpu.memory_space<hbm>>
      tpu.enqueue_dma source(%arg7 : memref<256x32xf32, #tpu.memory_space<vmem>>) target(%dma_start3A_69 : memref<256x32xf32, #tpu.memory_space<hbm>>) target_semaphore(%run_scoped3A_65 : memref<!tpu.dma_semaphore, #tpu.memory_space<semaphore_mem>>)
      %dma_wait3A_70 = arith.constant 0 : i32
      %dma_wait3A_71 = tpu.memref_slice %arg4[%mul3A_2, %dma_wait3A_70] : memref<8192x32xf32, #tpu.memory_space<hbm>> -> memref<256x32xf32, #tpu.memory_space<hbm>>
      %dma_wait3A_72 = arith.constant 0 : i32
      %dma_wait3A_73 = tpu.memref_slice %arg4[%mul3A_2, %dma_wait3A_72] : memref<8192x32xf32, #tpu.memory_space<hbm>> -> memref<256x32xf32, #tpu.memory_space<hbm>>
      tpu.wait_dma2 semaphore(%run_scoped3A_65 : memref<!tpu.dma_semaphore, #tpu.memory_space<semaphore_mem>>) src(%arg7 : memref<256x32xf32, #tpu.memory_space<vmem>>) dst(%dma_wait3A_73 : memref<256x32xf32, #tpu.memory_space<hbm>>)
      tpu.yield
    }) : () -> ()
    return
  }
}

module attributes {stable_mosaic.version = 14 : i64} {
  func.func @_vq_prep(%arg0: memref<8192x32xf32, #tpu.memory_space<vmem>>, %arg1: memref<8192x32xf32, #tpu.memory_space<vmem>>, %arg2: memref<1x8192xf32, #tpu.memory_space<vmem>>) attributes {dimension_semantics = [], scalar_prefetch = 0 : i64, scratch_operands = 0 : i64, tpu.core_type = #tpu.core_type<tc>} {
    %get3A = arith.constant 0 : index
    %get3A_0 = arith.constant 0 : index
    %get3A_1 = vector.load %arg0[%get3A, %get3A_0] : memref<8192x32xf32, #tpu.memory_space<vmem>>, vector<8192x32xf32>
    %mul3A = arith.mulf %get3A_1, %get3A_1 : vector<8192x32xf32>
    %reduce_sum3A = arith.constant dense<0.000000e+00> : vector<8192xf32>
    %reduce_sum3A_2 = vector.multi_reduction <add>, %mul3A, %reduce_sum3A [1] : vector<8192x32xf32> to vector<8192xf32>
    %broadcast_in_dim3A = vector.shape_cast %reduce_sum3A_2 : vector<8192xf32> to vector<8192x1xf32>
    %sqrt3A = math.sqrt %broadcast_in_dim3A : vector<8192x1xf32>
    %max3A = arith.constant 9.99999996E-13 : f32
    %max3A_3 = vector.broadcast %max3A : f32 to vector<8192x1xf32>
    %max3A_4 = arith.maximumf %sqrt3A, %max3A_3 : vector<8192x1xf32>
    %div3A = vector.broadcast %max3A_4 : vector<8192x1xf32> to vector<8192x32xf32>
    %div3A_5 = arith.divf %get3A_1, %div3A : vector<8192x32xf32>
    %swap3A = arith.constant 0 : index
    %swap3A_6 = arith.constant 0 : index
    %swap3A_7 = vector.load %arg1[%swap3A, %swap3A_6] : memref<8192x32xf32, #tpu.memory_space<vmem>>, vector<8192x32xf32>
    tpu.vector_store %arg1[%swap3A, %swap3A_6], %div3A_5 {strides = array<i32>} : memref<8192x32xf32, #tpu.memory_space<vmem>>, vector<8192x32xf32>,
    %broadcast_in_dim3A_8 = arith.constant 1.000000e+00 : f32
    %broadcast_in_dim3A_9 = vector.broadcast %broadcast_in_dim3A_8 : f32 to vector<1x32xf32>
    %dot_general3A = arith.constant dense<0.000000e+00> : vector<1x8192xf32>
    %dot_general3A_10 = tpu.matmul %broadcast_in_dim3A_9, %mul3A, %dot_general3A {dimension_numbers = #tpu.dot_dimension_numbers<[1], [1], [0], [0], [0, 0, 1, 0], [], []>, precision = #tpu.contract_precision<fp32>, transpose_lhs_hint = false} : vector<1x32xf32>, vector<8192x32xf32>, vector<1x8192xf32> -> vector<1x8192xf32>
    %swap3A_11 = arith.constant 0 : index
    %swap3A_12 = arith.constant 0 : index
    %swap3A_13 = vector.load %arg2[%swap3A_11, %swap3A_12] : memref<1x8192xf32, #tpu.memory_space<vmem>>, vector<1x8192xf32>
    tpu.vector_store %arg2[%swap3A_11, %swap3A_12], %dot_general3A_10 {strides = array<i32>} : memref<1x8192xf32, #tpu.memory_space<vmem>>, vector<1x8192xf32>,
    return
  }
}

module attributes {stable_mosaic.version = 14 : i64} {
  func.func @_vq_assign(%arg0: i32, %arg1: memref<1024x32xf32, #tpu.memory_space<vmem>>, %arg2: memref<8192x32xf32, #tpu.memory_space<vmem>>, %arg3: memref<1x1x1024xi32, #tpu.memory_space<vmem>>, %arg4: memref<1x1xf32, #tpu.memory_space<smem>>) attributes {dimension_semantics = [#tpu.dimension_semantics<arbitrary>], iteration_bounds = array<i64: 8>, scalar_prefetch = 0 : i64, scratch_operands = 0 : i64, tpu.core_type = #tpu.core_type<tc>, window_params = [{transform_indices = @transform_0, window_bounds = array<i64: 1024, 32>}, {pipeline_mode = #tpu.pipeline_mode<synchronous>, transform_indices = @transform_1, window_bounds = array<i64: 8192, 32>}, {transform_indices = @transform_2, window_bounds = array<i64: 1, 1, 1024>}, {transform_indices = @transform_3, window_bounds = array<i64: 1, 1>}]} {
    %eq3A = arith.constant 0 : i32
    %eq3A_0 = arith.cmpi eq, %arg0, %eq3A : i32
    %convert_element_type3A = arith.extui %eq3A_0 : i1 to i32
    %cond3A = arith.constant 0 : i32
    %cond3A_1 = arith.cmpi ne, %convert_element_type3A, %cond3A : i32
    scf.if %cond3A_1 {
      %swap3A_85 = arith.constant 0.000000e+00 : f32
      %swap3A_86 = arith.constant 0 : index
      %swap3A_87 = arith.constant 0 : index
      %swap3A_88 = memref.load %arg4[%swap3A_86, %swap3A_87] : memref<1x1xf32, #tpu.memory_space<smem>>
      memref.store %swap3A_85, %arg4[%swap3A_86, %swap3A_87] : memref<1x1xf32, #tpu.memory_space<smem>>
    } else {
    }
    %get3A = arith.constant 0 : index
    %get3A_2 = arith.constant 0 : index
    %get3A_3 = vector.load %arg1[%get3A, %get3A_2] : memref<1024x32xf32, #tpu.memory_space<vmem>>, vector<1024x32xf32>
    %mul3A = arith.mulf %get3A_3, %get3A_3 : vector<1024x32xf32>
    %reduce_sum3A = arith.constant dense<0.000000e+00> : vector<1024xf32>
    %reduce_sum3A_4 = vector.multi_reduction <add>, %mul3A, %reduce_sum3A [1] : vector<1024x32xf32> to vector<1024xf32>
    %broadcast_in_dim3A = vector.shape_cast %reduce_sum3A_4 : vector<1024xf32> to vector<1024x1xf32>
    %sqrt3A = math.sqrt %broadcast_in_dim3A : vector<1024x1xf32>
    %max3A = arith.constant 9.99999996E-13 : f32
    %max3A_5 = vector.broadcast %max3A : f32 to vector<1024x1xf32>
    %max3A_6 = arith.maximumf %sqrt3A, %max3A_5 : vector<1024x1xf32>
    %div3A = vector.broadcast %max3A_6 : vector<1024x1xf32> to vector<1024x32xf32>
    %div3A_7 = arith.divf %get3A_3, %div3A : vector<1024x32xf32>
    %get3A_8 = arith.constant 0 : index
    %get3A_9 = arith.constant 0 : index
    %get3A_10 = vector.load %arg2[%get3A_8, %get3A_9] : memref<8192x32xf32, #tpu.memory_space<vmem>>, vector<8192x32xf32>
    %slice3A = vector.extract_strided_slice %div3A_7 {offsets = [0, 0], sizes = [256, 32], strides = [1, 1]} : vector<1024x32xf32> to vector<256x32xf32>
    %dot_general3A = arith.constant dense<0.000000e+00> : vector<256x8192xf32>
    %dot_general3A_11 = tpu.matmul %slice3A, %get3A_10, %dot_general3A {dimension_numbers = #tpu.dot_dimension_numbers<[1], [1], [0], [0], [0, 0, 1, 0], [], []>, transpose_lhs_hint = false} : vector<256x32xf32>, vector<8192x32xf32>, vector<256x8192xf32> -> vector<256x8192xf32>
    %reduce_max3A = arith.constant dense<0xFF800000> : vector<256xf32>
    %reduce_max3A_12 = vector.multi_reduction <maximumf>, %dot_general3A_11, %reduce_max3A [1] : vector<256x8192xf32> to vector<256xf32>
    %argmax3A = tpu.reduce_index %dot_general3A_11 {axis = 1 : i32, kind = #tpu.reduction_kind<arg_max>} : vector<256x8192xf32> -> vector<256xi32>
    %swap3A = arith.constant 0 : index
    %swap3A_13 = arith.constant 0 : index
    %swap3A_14 = arith.constant 0 : index
    %swap3A_15 = vector.load %arg3[%swap3A, %swap3A_13, %swap3A_14] : memref<1x1x1024xi32, #tpu.memory_space<vmem>>, vector<1x1x256xi32>
    %swap3A_16 = vector.shape_cast %swap3A_15 : vector<1x1x256xi32> to vector<256xi32>
    %swap3A_17 = vector.shape_cast %argmax3A : vector<256xi32> to vector<1x1x256xi32>
    tpu.vector_store %arg3[%swap3A, %swap3A_13, %swap3A_14], %swap3A_17 {strides = array<i32>} : memref<1x1x1024xi32, #tpu.memory_space<vmem>>, vector<1x1x256xi32>,
    %reduce_sum3A_18 = vector.shape_cast %reduce_max3A_12 : vector<256xf32> to vector<1x256xf32>
    %reduce_sum3A_19 = arith.constant dense<0.000000e+00> : vector<1xf32>
    %reduce_sum3A_20 = vector.multi_reduction <add>, %reduce_sum3A_18, %reduce_sum3A_19 [1] : vector<1x256xf32> to vector<1xf32>
    %reduce_sum3A_21 = vector.shape_cast %reduce_sum3A_20 : vector<1xf32> to vector<1x1xf32>
    %reduce_sum3A_22 = vector.extract %reduce_sum3A_21[0, 0] : f32 from vector<1x1xf32>
    %add3A = arith.constant 0.000000e+00 : f32
    %add3A_23 = arith.addf %add3A, %reduce_sum3A_22 : f32
    %slice3A_24 = vector.extract_strided_slice %div3A_7 {offsets = [256, 0], sizes = [256, 32], strides = [1, 1]} : vector<1024x32xf32> to vector<256x32xf32>
    %dot_general3A_25 = arith.constant dense<0.000000e+00> : vector<256x8192xf32>
    %dot_general3A_26 = tpu.matmul %slice3A_24, %get3A_10, %dot_general3A_25 {dimension_numbers = #tpu.dot_dimension_numbers<[1], [1], [0], [0], [0, 0, 1, 0], [], []>, transpose_lhs_hint = false} : vector<256x32xf32>, vector<8192x32xf32>, vector<256x8192xf32> -> vector<256x8192xf32>
    %reduce_max3A_27 = arith.constant dense<0xFF800000> : vector<256xf32>
    %reduce_max3A_28 = vector.multi_reduction <maximumf>, %dot_general3A_26, %reduce_max3A_27 [1] : vector<256x8192xf32> to vector<256xf32>
    %argmax3A_29 = tpu.reduce_index %dot_general3A_26 {axis = 1 : i32, kind = #tpu.reduction_kind<arg_max>} : vector<256x8192xf32> -> vector<256xi32>
    %swap3A_30 = arith.constant 0 : index
    %swap3A_31 = arith.constant 0 : index
    %swap3A_32 = arith.constant 256 : index
    %swap3A_33 = vector.load %arg3[%swap3A_30, %swap3A_31, %swap3A_32] : memref<1x1x1024xi32, #tpu.memory_space<vmem>>, vector<1x1x256xi32>
    %swap3A_34 = vector.shape_cast %swap3A_33 : vector<1x1x256xi32> to vector<256xi32>
    %swap3A_35 = vector.shape_cast %argmax3A_29 : vector<256xi32> to vector<1x1x256xi32>
    tpu.vector_store %arg3[%swap3A_30, %swap3A_31, %swap3A_32], %swap3A_35 {strides = array<i32>} : memref<1x1x1024xi32, #tpu.memory_space<vmem>>, vector<1x1x256xi32>,
    %reduce_sum3A_36 = vector.shape_cast %reduce_max3A_28 : vector<256xf32> to vector<1x256xf32>
    %reduce_sum3A_37 = arith.constant dense<0.000000e+00> : vector<1xf32>
    %reduce_sum3A_38 = vector.multi_reduction <add>, %reduce_sum3A_36, %reduce_sum3A_37 [1] : vector<1x256xf32> to vector<1xf32>
    %reduce_sum3A_39 = vector.shape_cast %reduce_sum3A_38 : vector<1xf32> to vector<1x1xf32>
    %reduce_sum3A_40 = vector.extract %reduce_sum3A_39[0, 0] : f32 from vector<1x1xf32>
    %add3A_41 = arith.addf %add3A_23, %reduce_sum3A_40 : f32
    %slice3A_42 = vector.extract_strided_slice %div3A_7 {offsets = [512, 0], sizes = [256, 32], strides = [1, 1]} : vector<1024x32xf32> to vector<256x32xf32>
    %dot_general3A_43 = arith.constant dense<0.000000e+00> : vector<256x8192xf32>
    %dot_general3A_44 = tpu.matmul %slice3A_42, %get3A_10, %dot_general3A_43 {dimension_numbers = #tpu.dot_dimension_numbers<[1], [1], [0], [0], [0, 0, 1, 0], [], []>, transpose_lhs_hint = false} : vector<256x32xf32>, vector<8192x32xf32>, vector<256x8192xf32> -> vector<256x8192xf32>
    %reduce_max3A_45 = arith.constant dense<0xFF800000> : vector<256xf32>
    %reduce_max3A_46 = vector.multi_reduction <maximumf>, %dot_general3A_44, %reduce_max3A_45 [1] : vector<256x8192xf32> to vector<256xf32>
    %argmax3A_47 = tpu.reduce_index %dot_general3A_44 {axis = 1 : i32, kind = #tpu.reduction_kind<arg_max>} : vector<256x8192xf32> -> vector<256xi32>
    %swap3A_48 = arith.constant 0 : index
    %swap3A_49 = arith.constant 0 : index
    %swap3A_50 = arith.constant 512 : index
    %swap3A_51 = vector.load %arg3[%swap3A_48, %swap3A_49, %swap3A_50] : memref<1x1x1024xi32, #tpu.memory_space<vmem>>, vector<1x1x256xi32>
    %swap3A_52 = vector.shape_cast %swap3A_51 : vector<1x1x256xi32> to vector<256xi32>
    %swap3A_53 = vector.shape_cast %argmax3A_47 : vector<256xi32> to vector<1x1x256xi32>
    tpu.vector_store %arg3[%swap3A_48, %swap3A_49, %swap3A_50], %swap3A_53 {strides = array<i32>} : memref<1x1x1024xi32, #tpu.memory_space<vmem>>, vector<1x1x256xi32>,
    %reduce_sum3A_54 = vector.shape_cast %reduce_max3A_46 : vector<256xf32> to vector<1x256xf32>
    %reduce_sum3A_55 = arith.constant dense<0.000000e+00> : vector<1xf32>
    %reduce_sum3A_56 = vector.multi_reduction <add>, %reduce_sum3A_54, %reduce_sum3A_55 [1] : vector<1x256xf32> to vector<1xf32>
    %reduce_sum3A_57 = vector.shape_cast %reduce_sum3A_56 : vector<1xf32> to vector<1x1xf32>
    %reduce_sum3A_58 = vector.extract %reduce_sum3A_57[0, 0] : f32 from vector<1x1xf32>
    %add3A_59 = arith.addf %add3A_41, %reduce_sum3A_58 : f32
    %slice3A_60 = vector.extract_strided_slice %div3A_7 {offsets = [768, 0], sizes = [256, 32], strides = [1, 1]} : vector<1024x32xf32> to vector<256x32xf32>
    %dot_general3A_61 = arith.constant dense<0.000000e+00> : vector<256x8192xf32>
    %dot_general3A_62 = tpu.matmul %slice3A_60, %get3A_10, %dot_general3A_61 {dimension_numbers = #tpu.dot_dimension_numbers<[1], [1], [0], [0], [0, 0, 1, 0], [], []>, transpose_lhs_hint = false} : vector<256x32xf32>, vector<8192x32xf32>, vector<256x8192xf32> -> vector<256x8192xf32>
    %reduce_max3A_63 = arith.constant dense<0xFF800000> : vector<256xf32>
    %reduce_max3A_64 = vector.multi_reduction <maximumf>, %dot_general3A_62, %reduce_max3A_63 [1] : vector<256x8192xf32> to vector<256xf32>
    %argmax3A_65 = tpu.reduce_index %dot_general3A_62 {axis = 1 : i32, kind = #tpu.reduction_kind<arg_max>} : vector<256x8192xf32> -> vector<256xi32>
    %swap3A_66 = arith.constant 0 : index
    %swap3A_67 = arith.constant 0 : index
    %swap3A_68 = arith.constant 768 : index
    %swap3A_69 = vector.load %arg3[%swap3A_66, %swap3A_67, %swap3A_68] : memref<1x1x1024xi32, #tpu.memory_space<vmem>>, vector<1x1x256xi32>
    %swap3A_70 = vector.shape_cast %swap3A_69 : vector<1x1x256xi32> to vector<256xi32>
    %swap3A_71 = vector.shape_cast %argmax3A_65 : vector<256xi32> to vector<1x1x256xi32>
    tpu.vector_store %arg3[%swap3A_66, %swap3A_67, %swap3A_68], %swap3A_71 {strides = array<i32>} : memref<1x1x1024xi32, #tpu.memory_space<vmem>>, vector<1x1x256xi32>,
    %reduce_sum3A_72 = vector.shape_cast %reduce_max3A_64 : vector<256xf32> to vector<1x256xf32>
    %reduce_sum3A_73 = arith.constant dense<0.000000e+00> : vector<1xf32>
    %reduce_sum3A_74 = vector.multi_reduction <add>, %reduce_sum3A_72, %reduce_sum3A_73 [1] : vector<1x256xf32> to vector<1xf32>
    %reduce_sum3A_75 = vector.shape_cast %reduce_sum3A_74 : vector<1xf32> to vector<1x1xf32>
    %reduce_sum3A_76 = vector.extract %reduce_sum3A_75[0, 0] : f32 from vector<1x1xf32>
    %add3A_77 = arith.addf %add3A_59, %reduce_sum3A_76 : f32
    %get3A_78 = arith.constant 0 : index
    %get3A_79 = arith.constant 0 : index
    %get3A_80 = memref.load %arg4[%get3A_78, %get3A_79] : memref<1x1xf32, #tpu.memory_space<smem>>
    %add3A_81 = arith.addf %get3A_80, %add3A_77 : f32
    %swap3A_82 = arith.constant 0 : index
    %swap3A_83 = arith.constant 0 : index
    %swap3A_84 = memref.load %arg4[%swap3A_82, %swap3A_83] : memref<1x1xf32, #tpu.memory_space<smem>>
    memref.store %add3A_81, %arg4[%swap3A_82, %swap3A_83] : memref<1x1xf32, #tpu.memory_space<smem>>
    return
  }
  func.func @transform_0(%arg0: i32) -> (i32, i32) {
    %c0_i32 = arith.constant 0 : i32
    %c0_i32_0 = arith.constant 0 : i32
    return %arg0, %c0_i32 : i32, i32
  }
  func.func @transform_1(%arg0: i32) -> (i32, i32) {
    %c0_i32 = arith.constant 0 : i32
    %c0_i32_0 = arith.constant 0 : i32
    %c0_i32_1 = arith.constant 0 : i32
    return %c0_i32, %c0_i32_0 : i32, i32
  }
  func.func @transform_2(%arg0: i32) -> (i32, i32, i32) {
    %c0_i32 = arith.constant 0 : i32
    %c0_i32_0 = arith.constant 0 : i32
    %c0_i32_1 = arith.constant 0 : i32
    return %arg0, %c0_i32, %c0_i32_0 : i32, i32, i32
  }
  func.func @transform_3(%arg0: i32) -> (i32, i32) {
    %c0_i32 = arith.constant 0 : i32
    %c0_i32_0 = arith.constant 0 : i32
    %c0_i32_1 = arith.constant 0 : i32
    return %c0_i32, %c0_i32_0 : i32, i32
  }
}

module attributes {stable_mosaic.version = 14 : i64} {
  func.func @_vq_stats(%arg0: i32, %arg1: memref<8192x32xf32, #tpu.memory_space<vmem>>, %arg2: memref<1x8192xf32, #tpu.memory_space<vmem>>, %arg3: memref<1x1xf32, #tpu.memory_space<smem>>, %arg4: memref<1x1xf32, #tpu.memory_space<smem>>) attributes {dimension_semantics = [#tpu.dimension_semantics<arbitrary>], iteration_bounds = array<i64: 8>, scalar_prefetch = 0 : i64, scratch_operands = 0 : i64, tpu.core_type = #tpu.core_type<tc>, window_params = [{pipeline_mode = #tpu.pipeline_mode<synchronous>, transform_indices = @transform_0, window_bounds = array<i64: 8192, 32>}, {pipeline_mode = #tpu.pipeline_mode<synchronous>, transform_indices = @transform_1, window_bounds = array<i64: 1, 8192>}, {transform_indices = @transform_2, window_bounds = array<i64: 1, 1>}, {transform_indices = @transform_3, window_bounds = array<i64: 1, 1>}]} {
    %eq3A = arith.constant 0 : i32
    %eq3A_0 = arith.cmpi eq, %arg0, %eq3A : i32
    %convert_element_type3A = arith.extui %eq3A_0 : i1 to i32
    %cond3A = arith.constant 0 : i32
    %cond3A_1 = arith.cmpi ne, %convert_element_type3A, %cond3A : i32
    scf.if %cond3A_1 {
      %swap3A_576 = arith.constant 0.000000e+00 : f32
      %swap3A_577 = arith.constant 0 : index
      %swap3A_578 = arith.constant 0 : index
      %swap3A_579 = memref.load %arg3[%swap3A_577, %swap3A_578] : memref<1x1xf32, #tpu.memory_space<smem>>
      memref.store %swap3A_576, %arg3[%swap3A_577, %swap3A_578] : memref<1x1xf32, #tpu.memory_space<smem>>
      %swap3A_580 = arith.constant 0x7F800000 : f32
      %swap3A_581 = arith.constant 0 : index
      %swap3A_582 = arith.constant 0 : index
      %swap3A_583 = memref.load %arg4[%swap3A_581, %swap3A_582] : memref<1x1xf32, #tpu.memory_space<smem>>
      memref.store %swap3A_580, %arg4[%swap3A_581, %swap3A_582] : memref<1x1xf32, #tpu.memory_space<smem>>
    } else {
    }
    %mul3A = arith.constant 1024 : i32
    %mul3A_2 = arith.muli %arg0, %mul3A : i32
    %get3A = arith.index_cast %mul3A_2 : i32 to index
    %get3A_3 = arith.constant 0 : index
    %get3A_4 = vector.load %arg1[%get3A, %get3A_3] : memref<8192x32xf32, #tpu.memory_space<vmem>>, vector<1024x32xf32>
    %mul3A_5 = arith.constant -2.000000e+00 : f32
    %mul3A_6 = vector.broadcast %mul3A_5 : f32 to vector<1024x32xf32>
    %mul3A_7 = arith.mulf %get3A_4, %mul3A_6 : vector<1024x32xf32>
    %mul3A_8 = arith.mulf %get3A_4, %get3A_4 : vector<1024x32xf32>
    %reduce_sum3A = arith.constant dense<0.000000e+00> : vector<1024xf32>
    %reduce_sum3A_9 = vector.multi_reduction <add>, %mul3A_8, %reduce_sum3A [1] : vector<1024x32xf32> to vector<1024xf32>
    %broadcast_in_dim3A = vector.shape_cast %reduce_sum3A_9 : vector<1024xf32> to vector<1024x1xf32>
    %get3A_10 = arith.constant 0 : index
    %get3A_11 = arith.constant 0 : index
    %get3A_12 = vector.load %arg1[%get3A_10, %get3A_11] : memref<8192x32xf32, #tpu.memory_space<vmem>>, vector<512x32xf32>
    %get3A_13 = arith.constant 0 : index
    %get3A_14 = arith.constant 0 : index
    %get3A_15 = vector.load %arg2[%get3A_13, %get3A_14] : memref<1x8192xf32, #tpu.memory_space<vmem>>, vector<1x512xf32>
    %dot_general3A = arith.constant dense<0.000000e+00> : vector<1024x512xf32>
    %dot_general3A_16 = tpu.matmul %mul3A_7, %get3A_12, %dot_general3A {dimension_numbers = #tpu.dot_dimension_numbers<[1], [1], [0], [0], [0, 0, 1, 0], [], []>, transpose_lhs_hint = false} : vector<1024x32xf32>, vector<512x32xf32>, vector<1024x512xf32> -> vector<1024x512xf32>
    %add3A = vector.broadcast %broadcast_in_dim3A : vector<1024x1xf32> to vector<1024x512xf32>
    %add3A_17 = vector.broadcast %get3A_15 : vector<1x512xf32> to vector<1024x512xf32>
    %add3A_18 = arith.addf %add3A, %add3A_17 : vector<1024x512xf32>
    %add3A_19 = arith.addf %add3A_18, %dot_general3A_16 : vector<1024x512xf32>
    %max3A = arith.constant 1.000000e-30 : f32
    %max3A_20 = vector.broadcast %max3A : f32 to vector<1024x512xf32>
    %max3A_21 = arith.maximumf %add3A_19, %max3A_20 : vector<1024x512xf32>
    %rsqrt3A = math.rsqrt %max3A_21 : vector<1024x512xf32>
    %mul3A_22 = arith.mulf %max3A_21, %rsqrt3A : vector<1024x512xf32>
    %reduce_sum3A_23 = vector.shape_cast %mul3A_22 : vector<1024x512xf32> to vector<1x1024x512xf32>
    %reduce_sum3A_24 = arith.constant dense<0.000000e+00> : vector<1xf32>
    %reduce_sum3A_25 = vector.multi_reduction <add>, %reduce_sum3A_23, %reduce_sum3A_24 [1, 2] : vector<1x1024x512xf32> to vector<1xf32>
    %reduce_sum3A_26 = vector.shape_cast %reduce_sum3A_25 : vector<1xf32> to vector<1x1x1xf32>
    %reduce_sum3A_27 = vector.extract %reduce_sum3A_26[0, 0, 0] : f32 from vector<1x1x1xf32>
    %add3A_28 = arith.constant 0.000000e+00 : f32
    %add3A_29 = arith.addf %add3A_28, %reduce_sum3A_27 : f32
    %gt3A = arith.constant 2.000000e-02 : f32
    %gt3A_30 = vector.broadcast %gt3A : f32 to vector<1024x512xf32>
    %gt3A_31 = arith.cmpf ogt, %max3A_21, %gt3A_30 : vector<1024x512xf32>
    %jit3A = arith.constant 0x7F800000 : f32
    %broadcast_in_dim3A_32 = vector.broadcast %jit3A : f32 to vector<1024x512xf32>
    %select_n3A = arith.select %gt3A_31, %max3A_21, %broadcast_in_dim3A_32 : vector<1024x512xi1>, vector<1024x512xf32>
    %reduce_min3A = vector.shape_cast %select_n3A : vector<1024x512xf32> to vector<1x1024x512xf32>
    %reduce_min3A_33 = arith.constant dense<0x7F800000> : vector<1xf32>
    %reduce_min3A_34 = vector.multi_reduction <minimumf>, %reduce_min3A, %reduce_min3A_33 [1, 2] : vector<1x1024x512xf32> to vector<1xf32>
    %reduce_min3A_35 = vector.shape_cast %reduce_min3A_34 : vector<1xf32> to vector<1x1x1xf32>
    %reduce_min3A_36 = vector.extract %reduce_min3A_35[0, 0, 0] : f32 from vector<1x1x1xf32>
    %min3A = arith.constant 0x7F800000 : f32
    %min3A_37 = arith.minimumf %min3A, %reduce_min3A_36 : f32
    %get3A_38 = arith.constant 512 : index
    %get3A_39 = arith.constant 0 : index
    %get3A_40 = vector.load %arg1[%get3A_38, %get3A_39] : memref<8192x32xf32, #tpu.memory_space<vmem>>, vector<512x32xf32>
    %get3A_41 = arith.constant 0 : index
    %get3A_42 = arith.constant 512 : index
    %get3A_43 = vector.load %arg2[%get3A_41, %get3A_42] : memref<1x8192xf32, #tpu.memory_space<vmem>>, vector<1x512xf32>
    %dot_general3A_44 = arith.constant dense<0.000000e+00> : vector<1024x512xf32>
    %dot_general3A_45 = tpu.matmul %mul3A_7, %get3A_40, %dot_general3A_44 {dimension_numbers = #tpu.dot_dimension_numbers<[1], [1], [0], [0], [0, 0, 1, 0], [], []>, transpose_lhs_hint = false} : vector<1024x32xf32>, vector<512x32xf32>, vector<1024x512xf32> -> vector<1024x512xf32>
    %add3A_46 = vector.broadcast %broadcast_in_dim3A : vector<1024x1xf32> to vector<1024x512xf32>
    %add3A_47 = vector.broadcast %get3A_43 : vector<1x512xf32> to vector<1024x512xf32>
    %add3A_48 = arith.addf %add3A_46, %add3A_47 : vector<1024x512xf32>
    %add3A_49 = arith.addf %add3A_48, %dot_general3A_45 : vector<1024x512xf32>
    %max3A_50 = arith.constant 1.000000e-30 : f32
    %max3A_51 = vector.broadcast %max3A_50 : f32 to vector<1024x512xf32>
    %max3A_52 = arith.maximumf %add3A_49, %max3A_51 : vector<1024x512xf32>
    %rsqrt3A_53 = math.rsqrt %max3A_52 : vector<1024x512xf32>
    %mul3A_54 = arith.mulf %max3A_52, %rsqrt3A_53 : vector<1024x512xf32>
    %reduce_sum3A_55 = vector.shape_cast %mul3A_54 : vector<1024x512xf32> to vector<1x1024x512xf32>
    %reduce_sum3A_56 = arith.constant dense<0.000000e+00> : vector<1xf32>
    %reduce_sum3A_57 = vector.multi_reduction <add>, %reduce_sum3A_55, %reduce_sum3A_56 [1, 2] : vector<1x1024x512xf32> to vector<1xf32>
    %reduce_sum3A_58 = vector.shape_cast %reduce_sum3A_57 : vector<1xf32> to vector<1x1x1xf32>
    %reduce_sum3A_59 = vector.extract %reduce_sum3A_58[0, 0, 0] : f32 from vector<1x1x1xf32>
    %add3A_60 = arith.addf %add3A_29, %reduce_sum3A_59 : f32
    %gt3A_61 = arith.constant 2.000000e-02 : f32
    %gt3A_62 = vector.broadcast %gt3A_61 : f32 to vector<1024x512xf32>
    %gt3A_63 = arith.cmpf ogt, %max3A_52, %gt3A_62 : vector<1024x512xf32>
    %jit3A_64 = arith.constant 0x7F800000 : f32
    %broadcast_in_dim3A_65 = vector.broadcast %jit3A_64 : f32 to vector<1024x512xf32>
    %select_n3A_66 = arith.select %gt3A_63, %max3A_52, %broadcast_in_dim3A_65 : vector<1024x512xi1>, vector<1024x512xf32>
    %reduce_min3A_67 = vector.shape_cast %select_n3A_66 : vector<1024x512xf32> to vector<1x1024x512xf32>
    %reduce_min3A_68 = arith.constant dense<0x7F800000> : vector<1xf32>
    %reduce_min3A_69 = vector.multi_reduction <minimumf>, %reduce_min3A_67, %reduce_min3A_68 [1, 2] : vector<1x1024x512xf32> to vector<1xf32>
    %reduce_min3A_70 = vector.shape_cast %reduce_min3A_69 : vector<1xf32> to vector<1x1x1xf32>
    %reduce_min3A_71 = vector.extract %reduce_min3A_70[0, 0, 0] : f32 from vector<1x1x1xf32>
    %min3A_72 = arith.minimumf %min3A_37, %reduce_min3A_71 : f32
    %get3A_73 = arith.constant 1024 : index
    %get3A_74 = arith.constant 0 : index
    %get3A_75 = vector.load %arg1[%get3A_73, %get3A_74] : memref<8192x32xf32, #tpu.memory_space<vmem>>, vector<512x32xf32>
    %get3A_76 = arith.constant 0 : index
    %get3A_77 = arith.constant 1024 : index
    %get3A_78 = vector.load %arg2[%get3A_76, %get3A_77] : memref<1x8192xf32, #tpu.memory_space<vmem>>, vector<1x512xf32>
    %dot_general3A_79 = arith.constant dense<0.000000e+00> : vector<1024x512xf32>
    %dot_general3A_80 = tpu.matmul %mul3A_7, %get3A_75, %dot_general3A_79 {dimension_numbers = #tpu.dot_dimension_numbers<[1], [1], [0], [0], [0, 0, 1, 0], [], []>, transpose_lhs_hint = false} : vector<1024x32xf32>, vector<512x32xf32>, vector<1024x512xf32> -> vector<1024x512xf32>
    %add3A_81 = vector.broadcast %broadcast_in_dim3A : vector<1024x1xf32> to vector<1024x512xf32>
    %add3A_82 = vector.broadcast %get3A_78 : vector<1x512xf32> to vector<1024x512xf32>
    %add3A_83 = arith.addf %add3A_81, %add3A_82 : vector<1024x512xf32>
    %add3A_84 = arith.addf %add3A_83, %dot_general3A_80 : vector<1024x512xf32>
    %max3A_85 = arith.constant 1.000000e-30 : f32
    %max3A_86 = vector.broadcast %max3A_85 : f32 to vector<1024x512xf32>
    %max3A_87 = arith.maximumf %add3A_84, %max3A_86 : vector<1024x512xf32>
    %rsqrt3A_88 = math.rsqrt %max3A_87 : vector<1024x512xf32>
    %mul3A_89 = arith.mulf %max3A_87, %rsqrt3A_88 : vector<1024x512xf32>
    %reduce_sum3A_90 = vector.shape_cast %mul3A_89 : vector<1024x512xf32> to vector<1x1024x512xf32>
    %reduce_sum3A_91 = arith.constant dense<0.000000e+00> : vector<1xf32>
    %reduce_sum3A_92 = vector.multi_reduction <add>, %reduce_sum3A_90, %reduce_sum3A_91 [1, 2] : vector<1x1024x512xf32> to vector<1xf32>
    %reduce_sum3A_93 = vector.shape_cast %reduce_sum3A_92 : vector<1xf32> to vector<1x1x1xf32>
    %reduce_sum3A_94 = vector.extract %reduce_sum3A_93[0, 0, 0] : f32 from vector<1x1x1xf32>
    %add3A_95 = arith.addf %add3A_60, %reduce_sum3A_94 : f32
    %gt3A_96 = arith.constant 2.000000e-02 : f32
    %gt3A_97 = vector.broadcast %gt3A_96 : f32 to vector<1024x512xf32>
    %gt3A_98 = arith.cmpf ogt, %max3A_87, %gt3A_97 : vector<1024x512xf32>
    %jit3A_99 = arith.constant 0x7F800000 : f32
    %broadcast_in_dim3A_100 = vector.broadcast %jit3A_99 : f32 to vector<1024x512xf32>
    %select_n3A_101 = arith.select %gt3A_98, %max3A_87, %broadcast_in_dim3A_100 : vector<1024x512xi1>, vector<1024x512xf32>
    %reduce_min3A_102 = vector.shape_cast %select_n3A_101 : vector<1024x512xf32> to vector<1x1024x512xf32>
    %reduce_min3A_103 = arith.constant dense<0x7F800000> : vector<1xf32>
    %reduce_min3A_104 = vector.multi_reduction <minimumf>, %reduce_min3A_102, %reduce_min3A_103 [1, 2] : vector<1x1024x512xf32> to vector<1xf32>
    %reduce_min3A_105 = vector.shape_cast %reduce_min3A_104 : vector<1xf32> to vector<1x1x1xf32>
    %reduce_min3A_106 = vector.extract %reduce_min3A_105[0, 0, 0] : f32 from vector<1x1x1xf32>
    %min3A_107 = arith.minimumf %min3A_72, %reduce_min3A_106 : f32
    %get3A_108 = arith.constant 1536 : index
    %get3A_109 = arith.constant 0 : index
    %get3A_110 = vector.load %arg1[%get3A_108, %get3A_109] : memref<8192x32xf32, #tpu.memory_space<vmem>>, vector<512x32xf32>
    %get3A_111 = arith.constant 0 : index
    %get3A_112 = arith.constant 1536 : index
    %get3A_113 = vector.load %arg2[%get3A_111, %get3A_112] : memref<1x8192xf32, #tpu.memory_space<vmem>>, vector<1x512xf32>
    %dot_general3A_114 = arith.constant dense<0.000000e+00> : vector<1024x512xf32>
    %dot_general3A_115 = tpu.matmul %mul3A_7, %get3A_110, %dot_general3A_114 {dimension_numbers = #tpu.dot_dimension_numbers<[1], [1], [0], [0], [0, 0, 1, 0], [], []>, transpose_lhs_hint = false} : vector<1024x32xf32>, vector<512x32xf32>, vector<1024x512xf32> -> vector<1024x512xf32>
    %add3A_116 = vector.broadcast %broadcast_in_dim3A : vector<1024x1xf32> to vector<1024x512xf32>
    %add3A_117 = vector.broadcast %get3A_113 : vector<1x512xf32> to vector<1024x512xf32>
    %add3A_118 = arith.addf %add3A_116, %add3A_117 : vector<1024x512xf32>
    %add3A_119 = arith.addf %add3A_118, %dot_general3A_115 : vector<1024x512xf32>
    %max3A_120 = arith.constant 1.000000e-30 : f32
    %max3A_121 = vector.broadcast %max3A_120 : f32 to vector<1024x512xf32>
    %max3A_122 = arith.maximumf %add3A_119, %max3A_121 : vector<1024x512xf32>
    %rsqrt3A_123 = math.rsqrt %max3A_122 : vector<1024x512xf32>
    %mul3A_124 = arith.mulf %max3A_122, %rsqrt3A_123 : vector<1024x512xf32>
    %reduce_sum3A_125 = vector.shape_cast %mul3A_124 : vector<1024x512xf32> to vector<1x1024x512xf32>
    %reduce_sum3A_126 = arith.constant dense<0.000000e+00> : vector<1xf32>
    %reduce_sum3A_127 = vector.multi_reduction <add>, %reduce_sum3A_125, %reduce_sum3A_126 [1, 2] : vector<1x1024x512xf32> to vector<1xf32>
    %reduce_sum3A_128 = vector.shape_cast %reduce_sum3A_127 : vector<1xf32> to vector<1x1x1xf32>
    %reduce_sum3A_129 = vector.extract %reduce_sum3A_128[0, 0, 0] : f32 from vector<1x1x1xf32>
    %add3A_130 = arith.addf %add3A_95, %reduce_sum3A_129 : f32
    %gt3A_131 = arith.constant 2.000000e-02 : f32
    %gt3A_132 = vector.broadcast %gt3A_131 : f32 to vector<1024x512xf32>
    %gt3A_133 = arith.cmpf ogt, %max3A_122, %gt3A_132 : vector<1024x512xf32>
    %jit3A_134 = arith.constant 0x7F800000 : f32
    %broadcast_in_dim3A_135 = vector.broadcast %jit3A_134 : f32 to vector<1024x512xf32>
    %select_n3A_136 = arith.select %gt3A_133, %max3A_122, %broadcast_in_dim3A_135 : vector<1024x512xi1>, vector<1024x512xf32>
    %reduce_min3A_137 = vector.shape_cast %select_n3A_136 : vector<1024x512xf32> to vector<1x1024x512xf32>
    %reduce_min3A_138 = arith.constant dense<0x7F800000> : vector<1xf32>
    %reduce_min3A_139 = vector.multi_reduction <minimumf>, %reduce_min3A_137, %reduce_min3A_138 [1, 2] : vector<1x1024x512xf32> to vector<1xf32>
    %reduce_min3A_140 = vector.shape_cast %reduce_min3A_139 : vector<1xf32> to vector<1x1x1xf32>
    %reduce_min3A_141 = vector.extract %reduce_min3A_140[0, 0, 0] : f32 from vector<1x1x1xf32>
    %min3A_142 = arith.minimumf %min3A_107, %reduce_min3A_141 : f32
    %get3A_143 = arith.constant 2048 : index
    %get3A_144 = arith.constant 0 : index
    %get3A_145 = vector.load %arg1[%get3A_143, %get3A_144] : memref<8192x32xf32, #tpu.memory_space<vmem>>, vector<512x32xf32>
    %get3A_146 = arith.constant 0 : index
    %get3A_147 = arith.constant 2048 : index
    %get3A_148 = vector.load %arg2[%get3A_146, %get3A_147] : memref<1x8192xf32, #tpu.memory_space<vmem>>, vector<1x512xf32>
    %dot_general3A_149 = arith.constant dense<0.000000e+00> : vector<1024x512xf32>
    %dot_general3A_150 = tpu.matmul %mul3A_7, %get3A_145, %dot_general3A_149 {dimension_numbers = #tpu.dot_dimension_numbers<[1], [1], [0], [0], [0, 0, 1, 0], [], []>, transpose_lhs_hint = false} : vector<1024x32xf32>, vector<512x32xf32>, vector<1024x512xf32> -> vector<1024x512xf32>
    %add3A_151 = vector.broadcast %broadcast_in_dim3A : vector<1024x1xf32> to vector<1024x512xf32>
    %add3A_152 = vector.broadcast %get3A_148 : vector<1x512xf32> to vector<1024x512xf32>
    %add3A_153 = arith.addf %add3A_151, %add3A_152 : vector<1024x512xf32>
    %add3A_154 = arith.addf %add3A_153, %dot_general3A_150 : vector<1024x512xf32>
    %max3A_155 = arith.constant 1.000000e-30 : f32
    %max3A_156 = vector.broadcast %max3A_155 : f32 to vector<1024x512xf32>
    %max3A_157 = arith.maximumf %add3A_154, %max3A_156 : vector<1024x512xf32>
    %rsqrt3A_158 = math.rsqrt %max3A_157 : vector<1024x512xf32>
    %mul3A_159 = arith.mulf %max3A_157, %rsqrt3A_158 : vector<1024x512xf32>
    %reduce_sum3A_160 = vector.shape_cast %mul3A_159 : vector<1024x512xf32> to vector<1x1024x512xf32>
    %reduce_sum3A_161 = arith.constant dense<0.000000e+00> : vector<1xf32>
    %reduce_sum3A_162 = vector.multi_reduction <add>, %reduce_sum3A_160, %reduce_sum3A_161 [1, 2] : vector<1x1024x512xf32> to vector<1xf32>
    %reduce_sum3A_163 = vector.shape_cast %reduce_sum3A_162 : vector<1xf32> to vector<1x1x1xf32>
    %reduce_sum3A_164 = vector.extract %reduce_sum3A_163[0, 0, 0] : f32 from vector<1x1x1xf32>
    %add3A_165 = arith.addf %add3A_130, %reduce_sum3A_164 : f32
    %gt3A_166 = arith.constant 2.000000e-02 : f32
    %gt3A_167 = vector.broadcast %gt3A_166 : f32 to vector<1024x512xf32>
    %gt3A_168 = arith.cmpf ogt, %max3A_157, %gt3A_167 : vector<1024x512xf32>
    %jit3A_169 = arith.constant 0x7F800000 : f32
    %broadcast_in_dim3A_170 = vector.broadcast %jit3A_169 : f32 to vector<1024x512xf32>
    %select_n3A_171 = arith.select %gt3A_168, %max3A_157, %broadcast_in_dim3A_170 : vector<1024x512xi1>, vector<1024x512xf32>
    %reduce_min3A_172 = vector.shape_cast %select_n3A_171 : vector<1024x512xf32> to vector<1x1024x512xf32>
    %reduce_min3A_173 = arith.constant dense<0x7F800000> : vector<1xf32>
    %reduce_min3A_174 = vector.multi_reduction <minimumf>, %reduce_min3A_172, %reduce_min3A_173 [1, 2] : vector<1x1024x512xf32> to vector<1xf32>
    %reduce_min3A_175 = vector.shape_cast %reduce_min3A_174 : vector<1xf32> to vector<1x1x1xf32>
    %reduce_min3A_176 = vector.extract %reduce_min3A_175[0, 0, 0] : f32 from vector<1x1x1xf32>
    %min3A_177 = arith.minimumf %min3A_142, %reduce_min3A_176 : f32
    %get3A_178 = arith.constant 2560 : index
    %get3A_179 = arith.constant 0 : index
    %get3A_180 = vector.load %arg1[%get3A_178, %get3A_179] : memref<8192x32xf32, #tpu.memory_space<vmem>>, vector<512x32xf32>
    %get3A_181 = arith.constant 0 : index
    %get3A_182 = arith.constant 2560 : index
    %get3A_183 = vector.load %arg2[%get3A_181, %get3A_182] : memref<1x8192xf32, #tpu.memory_space<vmem>>, vector<1x512xf32>
    %dot_general3A_184 = arith.constant dense<0.000000e+00> : vector<1024x512xf32>
    %dot_general3A_185 = tpu.matmul %mul3A_7, %get3A_180, %dot_general3A_184 {dimension_numbers = #tpu.dot_dimension_numbers<[1], [1], [0], [0], [0, 0, 1, 0], [], []>, transpose_lhs_hint = false} : vector<1024x32xf32>, vector<512x32xf32>, vector<1024x512xf32> -> vector<1024x512xf32>
    %add3A_186 = vector.broadcast %broadcast_in_dim3A : vector<1024x1xf32> to vector<1024x512xf32>
    %add3A_187 = vector.broadcast %get3A_183 : vector<1x512xf32> to vector<1024x512xf32>
    %add3A_188 = arith.addf %add3A_186, %add3A_187 : vector<1024x512xf32>
    %add3A_189 = arith.addf %add3A_188, %dot_general3A_185 : vector<1024x512xf32>
    %max3A_190 = arith.constant 1.000000e-30 : f32
    %max3A_191 = vector.broadcast %max3A_190 : f32 to vector<1024x512xf32>
    %max3A_192 = arith.maximumf %add3A_189, %max3A_191 : vector<1024x512xf32>
    %rsqrt3A_193 = math.rsqrt %max3A_192 : vector<1024x512xf32>
    %mul3A_194 = arith.mulf %max3A_192, %rsqrt3A_193 : vector<1024x512xf32>
    %reduce_sum3A_195 = vector.shape_cast %mul3A_194 : vector<1024x512xf32> to vector<1x1024x512xf32>
    %reduce_sum3A_196 = arith.constant dense<0.000000e+00> : vector<1xf32>
    %reduce_sum3A_197 = vector.multi_reduction <add>, %reduce_sum3A_195, %reduce_sum3A_196 [1, 2] : vector<1x1024x512xf32> to vector<1xf32>
    %reduce_sum3A_198 = vector.shape_cast %reduce_sum3A_197 : vector<1xf32> to vector<1x1x1xf32>
    %reduce_sum3A_199 = vector.extract %reduce_sum3A_198[0, 0, 0] : f32 from vector<1x1x1xf32>
    %add3A_200 = arith.addf %add3A_165, %reduce_sum3A_199 : f32
    %gt3A_201 = arith.constant 2.000000e-02 : f32
    %gt3A_202 = vector.broadcast %gt3A_201 : f32 to vector<1024x512xf32>
    %gt3A_203 = arith.cmpf ogt, %max3A_192, %gt3A_202 : vector<1024x512xf32>
    %jit3A_204 = arith.constant 0x7F800000 : f32
    %broadcast_in_dim3A_205 = vector.broadcast %jit3A_204 : f32 to vector<1024x512xf32>
    %select_n3A_206 = arith.select %gt3A_203, %max3A_192, %broadcast_in_dim3A_205 : vector<1024x512xi1>, vector<1024x512xf32>
    %reduce_min3A_207 = vector.shape_cast %select_n3A_206 : vector<1024x512xf32> to vector<1x1024x512xf32>
    %reduce_min3A_208 = arith.constant dense<0x7F800000> : vector<1xf32>
    %reduce_min3A_209 = vector.multi_reduction <minimumf>, %reduce_min3A_207, %reduce_min3A_208 [1, 2] : vector<1x1024x512xf32> to vector<1xf32>
    %reduce_min3A_210 = vector.shape_cast %reduce_min3A_209 : vector<1xf32> to vector<1x1x1xf32>
    %reduce_min3A_211 = vector.extract %reduce_min3A_210[0, 0, 0] : f32 from vector<1x1x1xf32>
    %min3A_212 = arith.minimumf %min3A_177, %reduce_min3A_211 : f32
    %get3A_213 = arith.constant 3072 : index
    %get3A_214 = arith.constant 0 : index
    %get3A_215 = vector.load %arg1[%get3A_213, %get3A_214] : memref<8192x32xf32, #tpu.memory_space<vmem>>, vector<512x32xf32>
    %get3A_216 = arith.constant 0 : index
    %get3A_217 = arith.constant 3072 : index
    %get3A_218 = vector.load %arg2[%get3A_216, %get3A_217] : memref<1x8192xf32, #tpu.memory_space<vmem>>, vector<1x512xf32>
    %dot_general3A_219 = arith.constant dense<0.000000e+00> : vector<1024x512xf32>
    %dot_general3A_220 = tpu.matmul %mul3A_7, %get3A_215, %dot_general3A_219 {dimension_numbers = #tpu.dot_dimension_numbers<[1], [1], [0], [0], [0, 0, 1, 0], [], []>, transpose_lhs_hint = false} : vector<1024x32xf32>, vector<512x32xf32>, vector<1024x512xf32> -> vector<1024x512xf32>
    %add3A_221 = vector.broadcast %broadcast_in_dim3A : vector<1024x1xf32> to vector<1024x512xf32>
    %add3A_222 = vector.broadcast %get3A_218 : vector<1x512xf32> to vector<1024x512xf32>
    %add3A_223 = arith.addf %add3A_221, %add3A_222 : vector<1024x512xf32>
    %add3A_224 = arith.addf %add3A_223, %dot_general3A_220 : vector<1024x512xf32>
    %max3A_225 = arith.constant 1.000000e-30 : f32
    %max3A_226 = vector.broadcast %max3A_225 : f32 to vector<1024x512xf32>
    %max3A_227 = arith.maximumf %add3A_224, %max3A_226 : vector<1024x512xf32>
    %rsqrt3A_228 = math.rsqrt %max3A_227 : vector<1024x512xf32>
    %mul3A_229 = arith.mulf %max3A_227, %rsqrt3A_228 : vector<1024x512xf32>
    %reduce_sum3A_230 = vector.shape_cast %mul3A_229 : vector<1024x512xf32> to vector<1x1024x512xf32>
    %reduce_sum3A_231 = arith.constant dense<0.000000e+00> : vector<1xf32>
    %reduce_sum3A_232 = vector.multi_reduction <add>, %reduce_sum3A_230, %reduce_sum3A_231 [1, 2] : vector<1x1024x512xf32> to vector<1xf32>
    %reduce_sum3A_233 = vector.shape_cast %reduce_sum3A_232 : vector<1xf32> to vector<1x1x1xf32>
    %reduce_sum3A_234 = vector.extract %reduce_sum3A_233[0, 0, 0] : f32 from vector<1x1x1xf32>
    %add3A_235 = arith.addf %add3A_200, %reduce_sum3A_234 : f32
    %gt3A_236 = arith.constant 2.000000e-02 : f32
    %gt3A_237 = vector.broadcast %gt3A_236 : f32 to vector<1024x512xf32>
    %gt3A_238 = arith.cmpf ogt, %max3A_227, %gt3A_237 : vector<1024x512xf32>
    %jit3A_239 = arith.constant 0x7F800000 : f32
    %broadcast_in_dim3A_240 = vector.broadcast %jit3A_239 : f32 to vector<1024x512xf32>
    %select_n3A_241 = arith.select %gt3A_238, %max3A_227, %broadcast_in_dim3A_240 : vector<1024x512xi1>, vector<1024x512xf32>
    %reduce_min3A_242 = vector.shape_cast %select_n3A_241 : vector<1024x512xf32> to vector<1x1024x512xf32>
    %reduce_min3A_243 = arith.constant dense<0x7F800000> : vector<1xf32>
    %reduce_min3A_244 = vector.multi_reduction <minimumf>, %reduce_min3A_242, %reduce_min3A_243 [1, 2] : vector<1x1024x512xf32> to vector<1xf32>
    %reduce_min3A_245 = vector.shape_cast %reduce_min3A_244 : vector<1xf32> to vector<1x1x1xf32>
    %reduce_min3A_246 = vector.extract %reduce_min3A_245[0, 0, 0] : f32 from vector<1x1x1xf32>
    %min3A_247 = arith.minimumf %min3A_212, %reduce_min3A_246 : f32
    %get3A_248 = arith.constant 3584 : index
    %get3A_249 = arith.constant 0 : index
    %get3A_250 = vector.load %arg1[%get3A_248, %get3A_249] : memref<8192x32xf32, #tpu.memory_space<vmem>>, vector<512x32xf32>
    %get3A_251 = arith.constant 0 : index
    %get3A_252 = arith.constant 3584 : index
    %get3A_253 = vector.load %arg2[%get3A_251, %get3A_252] : memref<1x8192xf32, #tpu.memory_space<vmem>>, vector<1x512xf32>
    %dot_general3A_254 = arith.constant dense<0.000000e+00> : vector<1024x512xf32>
    %dot_general3A_255 = tpu.matmul %mul3A_7, %get3A_250, %dot_general3A_254 {dimension_numbers = #tpu.dot_dimension_numbers<[1], [1], [0], [0], [0, 0, 1, 0], [], []>, transpose_lhs_hint = false} : vector<1024x32xf32>, vector<512x32xf32>, vector<1024x512xf32> -> vector<1024x512xf32>
    %add3A_256 = vector.broadcast %broadcast_in_dim3A : vector<1024x1xf32> to vector<1024x512xf32>
    %add3A_257 = vector.broadcast %get3A_253 : vector<1x512xf32> to vector<1024x512xf32>
    %add3A_258 = arith.addf %add3A_256, %add3A_257 : vector<1024x512xf32>
    %add3A_259 = arith.addf %add3A_258, %dot_general3A_255 : vector<1024x512xf32>
    %max3A_260 = arith.constant 1.000000e-30 : f32
    %max3A_261 = vector.broadcast %max3A_260 : f32 to vector<1024x512xf32>
    %max3A_262 = arith.maximumf %add3A_259, %max3A_261 : vector<1024x512xf32>
    %rsqrt3A_263 = math.rsqrt %max3A_262 : vector<1024x512xf32>
    %mul3A_264 = arith.mulf %max3A_262, %rsqrt3A_263 : vector<1024x512xf32>
    %reduce_sum3A_265 = vector.shape_cast %mul3A_264 : vector<1024x512xf32> to vector<1x1024x512xf32>
    %reduce_sum3A_266 = arith.constant dense<0.000000e+00> : vector<1xf32>
    %reduce_sum3A_267 = vector.multi_reduction <add>, %reduce_sum3A_265, %reduce_sum3A_266 [1, 2] : vector<1x1024x512xf32> to vector<1xf32>
    %reduce_sum3A_268 = vector.shape_cast %reduce_sum3A_267 : vector<1xf32> to vector<1x1x1xf32>
    %reduce_sum3A_269 = vector.extract %reduce_sum3A_268[0, 0, 0] : f32 from vector<1x1x1xf32>
    %add3A_270 = arith.addf %add3A_235, %reduce_sum3A_269 : f32
    %gt3A_271 = arith.constant 2.000000e-02 : f32
    %gt3A_272 = vector.broadcast %gt3A_271 : f32 to vector<1024x512xf32>
    %gt3A_273 = arith.cmpf ogt, %max3A_262, %gt3A_272 : vector<1024x512xf32>
    %jit3A_274 = arith.constant 0x7F800000 : f32
    %broadcast_in_dim3A_275 = vector.broadcast %jit3A_274 : f32 to vector<1024x512xf32>
    %select_n3A_276 = arith.select %gt3A_273, %max3A_262, %broadcast_in_dim3A_275 : vector<1024x512xi1>, vector<1024x512xf32>
    %reduce_min3A_277 = vector.shape_cast %select_n3A_276 : vector<1024x512xf32> to vector<1x1024x512xf32>
    %reduce_min3A_278 = arith.constant dense<0x7F800000> : vector<1xf32>
    %reduce_min3A_279 = vector.multi_reduction <minimumf>, %reduce_min3A_277, %reduce_min3A_278 [1, 2] : vector<1x1024x512xf32> to vector<1xf32>
    %reduce_min3A_280 = vector.shape_cast %reduce_min3A_279 : vector<1xf32> to vector<1x1x1xf32>
    %reduce_min3A_281 = vector.extract %reduce_min3A_280[0, 0, 0] : f32 from vector<1x1x1xf32>
    %min3A_282 = arith.minimumf %min3A_247, %reduce_min3A_281 : f32
    %get3A_283 = arith.constant 4096 : index
    %get3A_284 = arith.constant 0 : index
    %get3A_285 = vector.load %arg1[%get3A_283, %get3A_284] : memref<8192x32xf32, #tpu.memory_space<vmem>>, vector<512x32xf32>
    %get3A_286 = arith.constant 0 : index
    %get3A_287 = arith.constant 4096 : index
    %get3A_288 = vector.load %arg2[%get3A_286, %get3A_287] : memref<1x8192xf32, #tpu.memory_space<vmem>>, vector<1x512xf32>
    %dot_general3A_289 = arith.constant dense<0.000000e+00> : vector<1024x512xf32>
    %dot_general3A_290 = tpu.matmul %mul3A_7, %get3A_285, %dot_general3A_289 {dimension_numbers = #tpu.dot_dimension_numbers<[1], [1], [0], [0], [0, 0, 1, 0], [], []>, transpose_lhs_hint = false} : vector<1024x32xf32>, vector<512x32xf32>, vector<1024x512xf32> -> vector<1024x512xf32>
    %add3A_291 = vector.broadcast %broadcast_in_dim3A : vector<1024x1xf32> to vector<1024x512xf32>
    %add3A_292 = vector.broadcast %get3A_288 : vector<1x512xf32> to vector<1024x512xf32>
    %add3A_293 = arith.addf %add3A_291, %add3A_292 : vector<1024x512xf32>
    %add3A_294 = arith.addf %add3A_293, %dot_general3A_290 : vector<1024x512xf32>
    %max3A_295 = arith.constant 1.000000e-30 : f32
    %max3A_296 = vector.broadcast %max3A_295 : f32 to vector<1024x512xf32>
    %max3A_297 = arith.maximumf %add3A_294, %max3A_296 : vector<1024x512xf32>
    %rsqrt3A_298 = math.rsqrt %max3A_297 : vector<1024x512xf32>
    %mul3A_299 = arith.mulf %max3A_297, %rsqrt3A_298 : vector<1024x512xf32>
    %reduce_sum3A_300 = vector.shape_cast %mul3A_299 : vector<1024x512xf32> to vector<1x1024x512xf32>
    %reduce_sum3A_301 = arith.constant dense<0.000000e+00> : vector<1xf32>
    %reduce_sum3A_302 = vector.multi_reduction <add>, %reduce_sum3A_300, %reduce_sum3A_301 [1, 2] : vector<1x1024x512xf32> to vector<1xf32>
    %reduce_sum3A_303 = vector.shape_cast %reduce_sum3A_302 : vector<1xf32> to vector<1x1x1xf32>
    %reduce_sum3A_304 = vector.extract %reduce_sum3A_303[0, 0, 0] : f32 from vector<1x1x1xf32>
    %add3A_305 = arith.addf %add3A_270, %reduce_sum3A_304 : f32
    %gt3A_306 = arith.constant 2.000000e-02 : f32
    %gt3A_307 = vector.broadcast %gt3A_306 : f32 to vector<1024x512xf32>
    %gt3A_308 = arith.cmpf ogt, %max3A_297, %gt3A_307 : vector<1024x512xf32>
    %jit3A_309 = arith.constant 0x7F800000 : f32
    %broadcast_in_dim3A_310 = vector.broadcast %jit3A_309 : f32 to vector<1024x512xf32>
    %select_n3A_311 = arith.select %gt3A_308, %max3A_297, %broadcast_in_dim3A_310 : vector<1024x512xi1>, vector<1024x512xf32>
    %reduce_min3A_312 = vector.shape_cast %select_n3A_311 : vector<1024x512xf32> to vector<1x1024x512xf32>
    %reduce_min3A_313 = arith.constant dense<0x7F800000> : vector<1xf32>
    %reduce_min3A_314 = vector.multi_reduction <minimumf>, %reduce_min3A_312, %reduce_min3A_313 [1, 2] : vector<1x1024x512xf32> to vector<1xf32>
    %reduce_min3A_315 = vector.shape_cast %reduce_min3A_314 : vector<1xf32> to vector<1x1x1xf32>
    %reduce_min3A_316 = vector.extract %reduce_min3A_315[0, 0, 0] : f32 from vector<1x1x1xf32>
    %min3A_317 = arith.minimumf %min3A_282, %reduce_min3A_316 : f32
    %get3A_318 = arith.constant 4608 : index
    %get3A_319 = arith.constant 0 : index
    %get3A_320 = vector.load %arg1[%get3A_318, %get3A_319] : memref<8192x32xf32, #tpu.memory_space<vmem>>, vector<512x32xf32>
    %get3A_321 = arith.constant 0 : index
    %get3A_322 = arith.constant 4608 : index
    %get3A_323 = vector.load %arg2[%get3A_321, %get3A_322] : memref<1x8192xf32, #tpu.memory_space<vmem>>, vector<1x512xf32>
    %dot_general3A_324 = arith.constant dense<0.000000e+00> : vector<1024x512xf32>
    %dot_general3A_325 = tpu.matmul %mul3A_7, %get3A_320, %dot_general3A_324 {dimension_numbers = #tpu.dot_dimension_numbers<[1], [1], [0], [0], [0, 0, 1, 0], [], []>, transpose_lhs_hint = false} : vector<1024x32xf32>, vector<512x32xf32>, vector<1024x512xf32> -> vector<1024x512xf32>
    %add3A_326 = vector.broadcast %broadcast_in_dim3A : vector<1024x1xf32> to vector<1024x512xf32>
    %add3A_327 = vector.broadcast %get3A_323 : vector<1x512xf32> to vector<1024x512xf32>
    %add3A_328 = arith.addf %add3A_326, %add3A_327 : vector<1024x512xf32>
    %add3A_329 = arith.addf %add3A_328, %dot_general3A_325 : vector<1024x512xf32>
    %max3A_330 = arith.constant 1.000000e-30 : f32
    %max3A_331 = vector.broadcast %max3A_330 : f32 to vector<1024x512xf32>
    %max3A_332 = arith.maximumf %add3A_329, %max3A_331 : vector<1024x512xf32>
    %rsqrt3A_333 = math.rsqrt %max3A_332 : vector<1024x512xf32>
    %mul3A_334 = arith.mulf %max3A_332, %rsqrt3A_333 : vector<1024x512xf32>
    %reduce_sum3A_335 = vector.shape_cast %mul3A_334 : vector<1024x512xf32> to vector<1x1024x512xf32>
    %reduce_sum3A_336 = arith.constant dense<0.000000e+00> : vector<1xf32>
    %reduce_sum3A_337 = vector.multi_reduction <add>, %reduce_sum3A_335, %reduce_sum3A_336 [1, 2] : vector<1x1024x512xf32> to vector<1xf32>
    %reduce_sum3A_338 = vector.shape_cast %reduce_sum3A_337 : vector<1xf32> to vector<1x1x1xf32>
    %reduce_sum3A_339 = vector.extract %reduce_sum3A_338[0, 0, 0] : f32 from vector<1x1x1xf32>
    %add3A_340 = arith.addf %add3A_305, %reduce_sum3A_339 : f32
    %gt3A_341 = arith.constant 2.000000e-02 : f32
    %gt3A_342 = vector.broadcast %gt3A_341 : f32 to vector<1024x512xf32>
    %gt3A_343 = arith.cmpf ogt, %max3A_332, %gt3A_342 : vector<1024x512xf32>
    %jit3A_344 = arith.constant 0x7F800000 : f32
    %broadcast_in_dim3A_345 = vector.broadcast %jit3A_344 : f32 to vector<1024x512xf32>
    %select_n3A_346 = arith.select %gt3A_343, %max3A_332, %broadcast_in_dim3A_345 : vector<1024x512xi1>, vector<1024x512xf32>
    %reduce_min3A_347 = vector.shape_cast %select_n3A_346 : vector<1024x512xf32> to vector<1x1024x512xf32>
    %reduce_min3A_348 = arith.constant dense<0x7F800000> : vector<1xf32>
    %reduce_min3A_349 = vector.multi_reduction <minimumf>, %reduce_min3A_347, %reduce_min3A_348 [1, 2] : vector<1x1024x512xf32> to vector<1xf32>
    %reduce_min3A_350 = vector.shape_cast %reduce_min3A_349 : vector<1xf32> to vector<1x1x1xf32>
    %reduce_min3A_351 = vector.extract %reduce_min3A_350[0, 0, 0] : f32 from vector<1x1x1xf32>
    %min3A_352 = arith.minimumf %min3A_317, %reduce_min3A_351 : f32
    %get3A_353 = arith.constant 5120 : index
    %get3A_354 = arith.constant 0 : index
    %get3A_355 = vector.load %arg1[%get3A_353, %get3A_354] : memref<8192x32xf32, #tpu.memory_space<vmem>>, vector<512x32xf32>
    %get3A_356 = arith.constant 0 : index
    %get3A_357 = arith.constant 5120 : index
    %get3A_358 = vector.load %arg2[%get3A_356, %get3A_357] : memref<1x8192xf32, #tpu.memory_space<vmem>>, vector<1x512xf32>
    %dot_general3A_359 = arith.constant dense<0.000000e+00> : vector<1024x512xf32>
    %dot_general3A_360 = tpu.matmul %mul3A_7, %get3A_355, %dot_general3A_359 {dimension_numbers = #tpu.dot_dimension_numbers<[1], [1], [0], [0], [0, 0, 1, 0], [], []>, transpose_lhs_hint = false} : vector<1024x32xf32>, vector<512x32xf32>, vector<1024x512xf32> -> vector<1024x512xf32>
    %add3A_361 = vector.broadcast %broadcast_in_dim3A : vector<1024x1xf32> to vector<1024x512xf32>
    %add3A_362 = vector.broadcast %get3A_358 : vector<1x512xf32> to vector<1024x512xf32>
    %add3A_363 = arith.addf %add3A_361, %add3A_362 : vector<1024x512xf32>
    %add3A_364 = arith.addf %add3A_363, %dot_general3A_360 : vector<1024x512xf32>
    %max3A_365 = arith.constant 1.000000e-30 : f32
    %max3A_366 = vector.broadcast %max3A_365 : f32 to vector<1024x512xf32>
    %max3A_367 = arith.maximumf %add3A_364, %max3A_366 : vector<1024x512xf32>
    %rsqrt3A_368 = math.rsqrt %max3A_367 : vector<1024x512xf32>
    %mul3A_369 = arith.mulf %max3A_367, %rsqrt3A_368 : vector<1024x512xf32>
    %reduce_sum3A_370 = vector.shape_cast %mul3A_369 : vector<1024x512xf32> to vector<1x1024x512xf32>
    %reduce_sum3A_371 = arith.constant dense<0.000000e+00> : vector<1xf32>
    %reduce_sum3A_372 = vector.multi_reduction <add>, %reduce_sum3A_370, %reduce_sum3A_371 [1, 2] : vector<1x1024x512xf32> to vector<1xf32>
    %reduce_sum3A_373 = vector.shape_cast %reduce_sum3A_372 : vector<1xf32> to vector<1x1x1xf32>
    %reduce_sum3A_374 = vector.extract %reduce_sum3A_373[0, 0, 0] : f32 from vector<1x1x1xf32>
    %add3A_375 = arith.addf %add3A_340, %reduce_sum3A_374 : f32
    %gt3A_376 = arith.constant 2.000000e-02 : f32
    %gt3A_377 = vector.broadcast %gt3A_376 : f32 to vector<1024x512xf32>
    %gt3A_378 = arith.cmpf ogt, %max3A_367, %gt3A_377 : vector<1024x512xf32>
    %jit3A_379 = arith.constant 0x7F800000 : f32
    %broadcast_in_dim3A_380 = vector.broadcast %jit3A_379 : f32 to vector<1024x512xf32>
    %select_n3A_381 = arith.select %gt3A_378, %max3A_367, %broadcast_in_dim3A_380 : vector<1024x512xi1>, vector<1024x512xf32>
    %reduce_min3A_382 = vector.shape_cast %select_n3A_381 : vector<1024x512xf32> to vector<1x1024x512xf32>
    %reduce_min3A_383 = arith.constant dense<0x7F800000> : vector<1xf32>
    %reduce_min3A_384 = vector.multi_reduction <minimumf>, %reduce_min3A_382, %reduce_min3A_383 [1, 2] : vector<1x1024x512xf32> to vector<1xf32>
    %reduce_min3A_385 = vector.shape_cast %reduce_min3A_384 : vector<1xf32> to vector<1x1x1xf32>
    %reduce_min3A_386 = vector.extract %reduce_min3A_385[0, 0, 0] : f32 from vector<1x1x1xf32>
    %min3A_387 = arith.minimumf %min3A_352, %reduce_min3A_386 : f32
    %get3A_388 = arith.constant 5632 : index
    %get3A_389 = arith.constant 0 : index
    %get3A_390 = vector.load %arg1[%get3A_388, %get3A_389] : memref<8192x32xf32, #tpu.memory_space<vmem>>, vector<512x32xf32>
    %get3A_391 = arith.constant 0 : index
    %get3A_392 = arith.constant 5632 : index
    %get3A_393 = vector.load %arg2[%get3A_391, %get3A_392] : memref<1x8192xf32, #tpu.memory_space<vmem>>, vector<1x512xf32>
    %dot_general3A_394 = arith.constant dense<0.000000e+00> : vector<1024x512xf32>
    %dot_general3A_395 = tpu.matmul %mul3A_7, %get3A_390, %dot_general3A_394 {dimension_numbers = #tpu.dot_dimension_numbers<[1], [1], [0], [0], [0, 0, 1, 0], [], []>, transpose_lhs_hint = false} : vector<1024x32xf32>, vector<512x32xf32>, vector<1024x512xf32> -> vector<1024x512xf32>
    %add3A_396 = vector.broadcast %broadcast_in_dim3A : vector<1024x1xf32> to vector<1024x512xf32>
    %add3A_397 = vector.broadcast %get3A_393 : vector<1x512xf32> to vector<1024x512xf32>
    %add3A_398 = arith.addf %add3A_396, %add3A_397 : vector<1024x512xf32>
    %add3A_399 = arith.addf %add3A_398, %dot_general3A_395 : vector<1024x512xf32>
    %max3A_400 = arith.constant 1.000000e-30 : f32
    %max3A_401 = vector.broadcast %max3A_400 : f32 to vector<1024x512xf32>
    %max3A_402 = arith.maximumf %add3A_399, %max3A_401 : vector<1024x512xf32>
    %rsqrt3A_403 = math.rsqrt %max3A_402 : vector<1024x512xf32>
    %mul3A_404 = arith.mulf %max3A_402, %rsqrt3A_403 : vector<1024x512xf32>
    %reduce_sum3A_405 = vector.shape_cast %mul3A_404 : vector<1024x512xf32> to vector<1x1024x512xf32>
    %reduce_sum3A_406 = arith.constant dense<0.000000e+00> : vector<1xf32>
    %reduce_sum3A_407 = vector.multi_reduction <add>, %reduce_sum3A_405, %reduce_sum3A_406 [1, 2] : vector<1x1024x512xf32> to vector<1xf32>
    %reduce_sum3A_408 = vector.shape_cast %reduce_sum3A_407 : vector<1xf32> to vector<1x1x1xf32>
    %reduce_sum3A_409 = vector.extract %reduce_sum3A_408[0, 0, 0] : f32 from vector<1x1x1xf32>
    %add3A_410 = arith.addf %add3A_375, %reduce_sum3A_409 : f32
    %gt3A_411 = arith.constant 2.000000e-02 : f32
    %gt3A_412 = vector.broadcast %gt3A_411 : f32 to vector<1024x512xf32>
    %gt3A_413 = arith.cmpf ogt, %max3A_402, %gt3A_412 : vector<1024x512xf32>
    %jit3A_414 = arith.constant 0x7F800000 : f32
    %broadcast_in_dim3A_415 = vector.broadcast %jit3A_414 : f32 to vector<1024x512xf32>
    %select_n3A_416 = arith.select %gt3A_413, %max3A_402, %broadcast_in_dim3A_415 : vector<1024x512xi1>, vector<1024x512xf32>
    %reduce_min3A_417 = vector.shape_cast %select_n3A_416 : vector<1024x512xf32> to vector<1x1024x512xf32>
    %reduce_min3A_418 = arith.constant dense<0x7F800000> : vector<1xf32>
    %reduce_min3A_419 = vector.multi_reduction <minimumf>, %reduce_min3A_417, %reduce_min3A_418 [1, 2] : vector<1x1024x512xf32> to vector<1xf32>
    %reduce_min3A_420 = vector.shape_cast %reduce_min3A_419 : vector<1xf32> to vector<1x1x1xf32>
    %reduce_min3A_421 = vector.extract %reduce_min3A_420[0, 0, 0] : f32 from vector<1x1x1xf32>
    %min3A_422 = arith.minimumf %min3A_387, %reduce_min3A_421 : f32
    %get3A_423 = arith.constant 6144 : index
    %get3A_424 = arith.constant 0 : index
    %get3A_425 = vector.load %arg1[%get3A_423, %get3A_424] : memref<8192x32xf32, #tpu.memory_space<vmem>>, vector<512x32xf32>
    %get3A_426 = arith.constant 0 : index
    %get3A_427 = arith.constant 6144 : index
    %get3A_428 = vector.load %arg2[%get3A_426, %get3A_427] : memref<1x8192xf32, #tpu.memory_space<vmem>>, vector<1x512xf32>
    %dot_general3A_429 = arith.constant dense<0.000000e+00> : vector<1024x512xf32>
    %dot_general3A_430 = tpu.matmul %mul3A_7, %get3A_425, %dot_general3A_429 {dimension_numbers = #tpu.dot_dimension_numbers<[1], [1], [0], [0], [0, 0, 1, 0], [], []>, transpose_lhs_hint = false} : vector<1024x32xf32>, vector<512x32xf32>, vector<1024x512xf32> -> vector<1024x512xf32>
    %add3A_431 = vector.broadcast %broadcast_in_dim3A : vector<1024x1xf32> to vector<1024x512xf32>
    %add3A_432 = vector.broadcast %get3A_428 : vector<1x512xf32> to vector<1024x512xf32>
    %add3A_433 = arith.addf %add3A_431, %add3A_432 : vector<1024x512xf32>
    %add3A_434 = arith.addf %add3A_433, %dot_general3A_430 : vector<1024x512xf32>
    %max3A_435 = arith.constant 1.000000e-30 : f32
    %max3A_436 = vector.broadcast %max3A_435 : f32 to vector<1024x512xf32>
    %max3A_437 = arith.maximumf %add3A_434, %max3A_436 : vector<1024x512xf32>
    %rsqrt3A_438 = math.rsqrt %max3A_437 : vector<1024x512xf32>
    %mul3A_439 = arith.mulf %max3A_437, %rsqrt3A_438 : vector<1024x512xf32>
    %reduce_sum3A_440 = vector.shape_cast %mul3A_439 : vector<1024x512xf32> to vector<1x1024x512xf32>
    %reduce_sum3A_441 = arith.constant dense<0.000000e+00> : vector<1xf32>
    %reduce_sum3A_442 = vector.multi_reduction <add>, %reduce_sum3A_440, %reduce_sum3A_441 [1, 2] : vector<1x1024x512xf32> to vector<1xf32>
    %reduce_sum3A_443 = vector.shape_cast %reduce_sum3A_442 : vector<1xf32> to vector<1x1x1xf32>
    %reduce_sum3A_444 = vector.extract %reduce_sum3A_443[0, 0, 0] : f32 from vector<1x1x1xf32>
    %add3A_445 = arith.addf %add3A_410, %reduce_sum3A_444 : f32
    %gt3A_446 = arith.constant 2.000000e-02 : f32
    %gt3A_447 = vector.broadcast %gt3A_446 : f32 to vector<1024x512xf32>
    %gt3A_448 = arith.cmpf ogt, %max3A_437, %gt3A_447 : vector<1024x512xf32>
    %jit3A_449 = arith.constant 0x7F800000 : f32
    %broadcast_in_dim3A_450 = vector.broadcast %jit3A_449 : f32 to vector<1024x512xf32>
    %select_n3A_451 = arith.select %gt3A_448, %max3A_437, %broadcast_in_dim3A_450 : vector<1024x512xi1>, vector<1024x512xf32>
    %reduce_min3A_452 = vector.shape_cast %select_n3A_451 : vector<1024x512xf32> to vector<1x1024x512xf32>
    %reduce_min3A_453 = arith.constant dense<0x7F800000> : vector<1xf32>
    %reduce_min3A_454 = vector.multi_reduction <minimumf>, %reduce_min3A_452, %reduce_min3A_453 [1, 2] : vector<1x1024x512xf32> to vector<1xf32>
    %reduce_min3A_455 = vector.shape_cast %reduce_min3A_454 : vector<1xf32> to vector<1x1x1xf32>
    %reduce_min3A_456 = vector.extract %reduce_min3A_455[0, 0, 0] : f32 from vector<1x1x1xf32>
    %min3A_457 = arith.minimumf %min3A_422, %reduce_min3A_456 : f32
    %get3A_458 = arith.constant 6656 : index
    %get3A_459 = arith.constant 0 : index
    %get3A_460 = vector.load %arg1[%get3A_458, %get3A_459] : memref<8192x32xf32, #tpu.memory_space<vmem>>, vector<512x32xf32>
    %get3A_461 = arith.constant 0 : index
    %get3A_462 = arith.constant 6656 : index
    %get3A_463 = vector.load %arg2[%get3A_461, %get3A_462] : memref<1x8192xf32, #tpu.memory_space<vmem>>, vector<1x512xf32>
    %dot_general3A_464 = arith.constant dense<0.000000e+00> : vector<1024x512xf32>
    %dot_general3A_465 = tpu.matmul %mul3A_7, %get3A_460, %dot_general3A_464 {dimension_numbers = #tpu.dot_dimension_numbers<[1], [1], [0], [0], [0, 0, 1, 0], [], []>, transpose_lhs_hint = false} : vector<1024x32xf32>, vector<512x32xf32>, vector<1024x512xf32> -> vector<1024x512xf32>
    %add3A_466 = vector.broadcast %broadcast_in_dim3A : vector<1024x1xf32> to vector<1024x512xf32>
    %add3A_467 = vector.broadcast %get3A_463 : vector<1x512xf32> to vector<1024x512xf32>
    %add3A_468 = arith.addf %add3A_466, %add3A_467 : vector<1024x512xf32>
    %add3A_469 = arith.addf %add3A_468, %dot_general3A_465 : vector<1024x512xf32>
    %max3A_470 = arith.constant 1.000000e-30 : f32
    %max3A_471 = vector.broadcast %max3A_470 : f32 to vector<1024x512xf32>
    %max3A_472 = arith.maximumf %add3A_469, %max3A_471 : vector<1024x512xf32>
    %rsqrt3A_473 = math.rsqrt %max3A_472 : vector<1024x512xf32>
    %mul3A_474 = arith.mulf %max3A_472, %rsqrt3A_473 : vector<1024x512xf32>
    %reduce_sum3A_475 = vector.shape_cast %mul3A_474 : vector<1024x512xf32> to vector<1x1024x512xf32>
    %reduce_sum3A_476 = arith.constant dense<0.000000e+00> : vector<1xf32>
    %reduce_sum3A_477 = vector.multi_reduction <add>, %reduce_sum3A_475, %reduce_sum3A_476 [1, 2] : vector<1x1024x512xf32> to vector<1xf32>
    %reduce_sum3A_478 = vector.shape_cast %reduce_sum3A_477 : vector<1xf32> to vector<1x1x1xf32>
    %reduce_sum3A_479 = vector.extract %reduce_sum3A_478[0, 0, 0] : f32 from vector<1x1x1xf32>
    %add3A_480 = arith.addf %add3A_445, %reduce_sum3A_479 : f32
    %gt3A_481 = arith.constant 2.000000e-02 : f32
    %gt3A_482 = vector.broadcast %gt3A_481 : f32 to vector<1024x512xf32>
    %gt3A_483 = arith.cmpf ogt, %max3A_472, %gt3A_482 : vector<1024x512xf32>
    %jit3A_484 = arith.constant 0x7F800000 : f32
    %broadcast_in_dim3A_485 = vector.broadcast %jit3A_484 : f32 to vector<1024x512xf32>
    %select_n3A_486 = arith.select %gt3A_483, %max3A_472, %broadcast_in_dim3A_485 : vector<1024x512xi1>, vector<1024x512xf32>
    %reduce_min3A_487 = vector.shape_cast %select_n3A_486 : vector<1024x512xf32> to vector<1x1024x512xf32>
    %reduce_min3A_488 = arith.constant dense<0x7F800000> : vector<1xf32>
    %reduce_min3A_489 = vector.multi_reduction <minimumf>, %reduce_min3A_487, %reduce_min3A_488 [1, 2] : vector<1x1024x512xf32> to vector<1xf32>
    %reduce_min3A_490 = vector.shape_cast %reduce_min3A_489 : vector<1xf32> to vector<1x1x1xf32>
    %reduce_min3A_491 = vector.extract %reduce_min3A_490[0, 0, 0] : f32 from vector<1x1x1xf32>
    %min3A_492 = arith.minimumf %min3A_457, %reduce_min3A_491 : f32
    %get3A_493 = arith.constant 7168 : index
    %get3A_494 = arith.constant 0 : index
    %get3A_495 = vector.load %arg1[%get3A_493, %get3A_494] : memref<8192x32xf32, #tpu.memory_space<vmem>>, vector<512x32xf32>
    %get3A_496 = arith.constant 0 : index
    %get3A_497 = arith.constant 7168 : index
    %get3A_498 = vector.load %arg2[%get3A_496, %get3A_497] : memref<1x8192xf32, #tpu.memory_space<vmem>>, vector<1x512xf32>
    %dot_general3A_499 = arith.constant dense<0.000000e+00> : vector<1024x512xf32>
    %dot_general3A_500 = tpu.matmul %mul3A_7, %get3A_495, %dot_general3A_499 {dimension_numbers = #tpu.dot_dimension_numbers<[1], [1], [0], [0], [0, 0, 1, 0], [], []>, transpose_lhs_hint = false} : vector<1024x32xf32>, vector<512x32xf32>, vector<1024x512xf32> -> vector<1024x512xf32>
    %add3A_501 = vector.broadcast %broadcast_in_dim3A : vector<1024x1xf32> to vector<1024x512xf32>
    %add3A_502 = vector.broadcast %get3A_498 : vector<1x512xf32> to vector<1024x512xf32>
    %add3A_503 = arith.addf %add3A_501, %add3A_502 : vector<1024x512xf32>
    %add3A_504 = arith.addf %add3A_503, %dot_general3A_500 : vector<1024x512xf32>
    %max3A_505 = arith.constant 1.000000e-30 : f32
    %max3A_506 = vector.broadcast %max3A_505 : f32 to vector<1024x512xf32>
    %max3A_507 = arith.maximumf %add3A_504, %max3A_506 : vector<1024x512xf32>
    %rsqrt3A_508 = math.rsqrt %max3A_507 : vector<1024x512xf32>
    %mul3A_509 = arith.mulf %max3A_507, %rsqrt3A_508 : vector<1024x512xf32>
    %reduce_sum3A_510 = vector.shape_cast %mul3A_509 : vector<1024x512xf32> to vector<1x1024x512xf32>
    %reduce_sum3A_511 = arith.constant dense<0.000000e+00> : vector<1xf32>
    %reduce_sum3A_512 = vector.multi_reduction <add>, %reduce_sum3A_510, %reduce_sum3A_511 [1, 2] : vector<1x1024x512xf32> to vector<1xf32>
    %reduce_sum3A_513 = vector.shape_cast %reduce_sum3A_512 : vector<1xf32> to vector<1x1x1xf32>
    %reduce_sum3A_514 = vector.extract %reduce_sum3A_513[0, 0, 0] : f32 from vector<1x1x1xf32>
    %add3A_515 = arith.addf %add3A_480, %reduce_sum3A_514 : f32
    %gt3A_516 = arith.constant 2.000000e-02 : f32
    %gt3A_517 = vector.broadcast %gt3A_516 : f32 to vector<1024x512xf32>
    %gt3A_518 = arith.cmpf ogt, %max3A_507, %gt3A_517 : vector<1024x512xf32>
    %jit3A_519 = arith.constant 0x7F800000 : f32
    %broadcast_in_dim3A_520 = vector.broadcast %jit3A_519 : f32 to vector<1024x512xf32>
    %select_n3A_521 = arith.select %gt3A_518, %max3A_507, %broadcast_in_dim3A_520 : vector<1024x512xi1>, vector<1024x512xf32>
    %reduce_min3A_522 = vector.shape_cast %select_n3A_521 : vector<1024x512xf32> to vector<1x1024x512xf32>
    %reduce_min3A_523 = arith.constant dense<0x7F800000> : vector<1xf32>
    %reduce_min3A_524 = vector.multi_reduction <minimumf>, %reduce_min3A_522, %reduce_min3A_523 [1, 2] : vector<1x1024x512xf32> to vector<1xf32>
    %reduce_min3A_525 = vector.shape_cast %reduce_min3A_524 : vector<1xf32> to vector<1x1x1xf32>
    %reduce_min3A_526 = vector.extract %reduce_min3A_525[0, 0, 0] : f32 from vector<1x1x1xf32>
    %min3A_527 = arith.minimumf %min3A_492, %reduce_min3A_526 : f32
    %get3A_528 = arith.constant 7680 : index
    %get3A_529 = arith.constant 0 : index
    %get3A_530 = vector.load %arg1[%get3A_528, %get3A_529] : memref<8192x32xf32, #tpu.memory_space<vmem>>, vector<512x32xf32>
    %get3A_531 = arith.constant 0 : index
    %get3A_532 = arith.constant 7680 : index
    %get3A_533 = vector.load %arg2[%get3A_531, %get3A_532] : memref<1x8192xf32, #tpu.memory_space<vmem>>, vector<1x512xf32>
    %dot_general3A_534 = arith.constant dense<0.000000e+00> : vector<1024x512xf32>
    %dot_general3A_535 = tpu.matmul %mul3A_7, %get3A_530, %dot_general3A_534 {dimension_numbers = #tpu.dot_dimension_numbers<[1], [1], [0], [0], [0, 0, 1, 0], [], []>, transpose_lhs_hint = false} : vector<1024x32xf32>, vector<512x32xf32>, vector<1024x512xf32> -> vector<1024x512xf32>
    %add3A_536 = vector.broadcast %broadcast_in_dim3A : vector<1024x1xf32> to vector<1024x512xf32>
    %add3A_537 = vector.broadcast %get3A_533 : vector<1x512xf32> to vector<1024x512xf32>
    %add3A_538 = arith.addf %add3A_536, %add3A_537 : vector<1024x512xf32>
    %add3A_539 = arith.addf %add3A_538, %dot_general3A_535 : vector<1024x512xf32>
    %max3A_540 = arith.constant 1.000000e-30 : f32
    %max3A_541 = vector.broadcast %max3A_540 : f32 to vector<1024x512xf32>
    %max3A_542 = arith.maximumf %add3A_539, %max3A_541 : vector<1024x512xf32>
    %rsqrt3A_543 = math.rsqrt %max3A_542 : vector<1024x512xf32>
    %mul3A_544 = arith.mulf %max3A_542, %rsqrt3A_543 : vector<1024x512xf32>
    %reduce_sum3A_545 = vector.shape_cast %mul3A_544 : vector<1024x512xf32> to vector<1x1024x512xf32>
    %reduce_sum3A_546 = arith.constant dense<0.000000e+00> : vector<1xf32>
    %reduce_sum3A_547 = vector.multi_reduction <add>, %reduce_sum3A_545, %reduce_sum3A_546 [1, 2] : vector<1x1024x512xf32> to vector<1xf32>
    %reduce_sum3A_548 = vector.shape_cast %reduce_sum3A_547 : vector<1xf32> to vector<1x1x1xf32>
    %reduce_sum3A_549 = vector.extract %reduce_sum3A_548[0, 0, 0] : f32 from vector<1x1x1xf32>
    %add3A_550 = arith.addf %add3A_515, %reduce_sum3A_549 : f32
    %gt3A_551 = arith.constant 2.000000e-02 : f32
    %gt3A_552 = vector.broadcast %gt3A_551 : f32 to vector<1024x512xf32>
    %gt3A_553 = arith.cmpf ogt, %max3A_542, %gt3A_552 : vector<1024x512xf32>
    %jit3A_554 = arith.constant 0x7F800000 : f32
    %broadcast_in_dim3A_555 = vector.broadcast %jit3A_554 : f32 to vector<1024x512xf32>
    %select_n3A_556 = arith.select %gt3A_553, %max3A_542, %broadcast_in_dim3A_555 : vector<1024x512xi1>, vector<1024x512xf32>
    %reduce_min3A_557 = vector.shape_cast %select_n3A_556 : vector<1024x512xf32> to vector<1x1024x512xf32>
    %reduce_min3A_558 = arith.constant dense<0x7F800000> : vector<1xf32>
    %reduce_min3A_559 = vector.multi_reduction <minimumf>, %reduce_min3A_557, %reduce_min3A_558 [1, 2] : vector<1x1024x512xf32> to vector<1xf32>
    %reduce_min3A_560 = vector.shape_cast %reduce_min3A_559 : vector<1xf32> to vector<1x1x1xf32>
    %reduce_min3A_561 = vector.extract %reduce_min3A_560[0, 0, 0] : f32 from vector<1x1x1xf32>
    %min3A_562 = arith.minimumf %min3A_527, %reduce_min3A_561 : f32
    %get3A_563 = arith.constant 0 : index
    %get3A_564 = arith.constant 0 : index
    %get3A_565 = memref.load %arg3[%get3A_563, %get3A_564] : memref<1x1xf32, #tpu.memory_space<smem>>
    %add3A_566 = arith.addf %get3A_565, %add3A_550 : f32
    %swap3A = arith.constant 0 : index
    %swap3A_567 = arith.constant 0 : index
    %swap3A_568 = memref.load %arg3[%swap3A, %swap3A_567] : memref<1x1xf32, #tpu.memory_space<smem>>
    memref.store %add3A_566, %arg3[%swap3A, %swap3A_567] : memref<1x1xf32, #tpu.memory_space<smem>>
    %get3A_569 = arith.constant 0 : index
    %get3A_570 = arith.constant 0 : index
    %get3A_571 = memref.load %arg4[%get3A_569, %get3A_570] : memref<1x1xf32, #tpu.memory_space<smem>>
    %min3A_572 = arith.minimumf %get3A_571, %min3A_562 : f32
    %swap3A_573 = arith.constant 0 : index
    %swap3A_574 = arith.constant 0 : index
    %swap3A_575 = memref.load %arg4[%swap3A_573, %swap3A_574] : memref<1x1xf32, #tpu.memory_space<smem>>
    memref.store %min3A_572, %arg4[%swap3A_573, %swap3A_574] : memref<1x1xf32, #tpu.memory_space<smem>>
    return
  }
  func.func @transform_0(%arg0: i32) -> (i32, i32) {
    %c0_i32 = arith.constant 0 : i32
    %c0_i32_0 = arith.constant 0 : i32
    %c0_i32_1 = arith.constant 0 : i32
    return %c0_i32, %c0_i32_0 : i32, i32
  }
  func.func @transform_1(%arg0: i32) -> (i32, i32) {
    %c0_i32 = arith.constant 0 : i32
    %c0_i32_0 = arith.constant 0 : i32
    %c0_i32_1 = arith.constant 0 : i32
    return %c0_i32, %c0_i32_0 : i32, i32
  }
  func.func @transform_2(%arg0: i32) -> (i32, i32) {
    %c0_i32 = arith.constant 0 : i32
    %c0_i32_0 = arith.constant 0 : i32
    %c0_i32_1 = arith.constant 0 : i32
    return %c0_i32, %c0_i32_0 : i32, i32
  }
  func.func @transform_3(%arg0: i32) -> (i32, i32) {
    %c0_i32 = arith.constant 0 : i32
    %c0_i32_0 = arith.constant 0 : i32
    %c0_i32_1 = arith.constant 0 : i32
    return %c0_i32, %c0_i32_0 : i32, i32
  }
}

module attributes {stable_mosaic.version = 14 : i64} {
  func.func @_vq_epilogue(%arg0: memref<8192x32xf32, #tpu.memory_space<vmem>>, %arg1: memref<8192x32xf32, #tpu.memory_space<vmem>>, %arg2: memref<1024x128xf32, #tpu.memory_space<vmem>>, %arg3: memref<1024x128xf32, #tpu.memory_space<vmem>>, %arg4: memref<1x1xf32, #tpu.memory_space<smem>>, %arg5: memref<1x1xf32, #tpu.memory_space<smem>>, %arg6: memref<1x1xf32, #tpu.memory_space<smem>>, %arg7: memref<1x1xf32, #tpu.memory_space<smem>>, %arg8: memref<1x1xf32, #tpu.memory_space<smem>>, %arg9: memref<1x1xf32, #tpu.memory_space<smem>>, %arg10: memref<1x1xf32, #tpu.memory_space<smem>>, %arg11: memref<1x1xf32, #tpu.memory_space<smem>>, %arg12: memref<1x1xf32, #tpu.memory_space<smem>>) attributes {dimension_semantics = [], scalar_prefetch = 0 : i64, scratch_operands = 0 : i64, tpu.core_type = #tpu.core_type<tc>} {
    %get3A = arith.constant 0 : index
    %get3A_0 = arith.constant 0 : index
    %get3A_1 = vector.load %arg0[%get3A, %get3A_0] : memref<8192x32xf32, #tpu.memory_space<vmem>>, vector<8192x32xf32>
    %get3A_2 = arith.constant 0 : index
    %get3A_3 = arith.constant 0 : index
    %get3A_4 = vector.load %arg1[%get3A_2, %get3A_3] : memref<8192x32xf32, #tpu.memory_space<vmem>>, vector<8192x32xf32>
    %sub3A = arith.subf %get3A_1, %get3A_4 : vector<8192x32xf32>
    %mul3A = arith.mulf %sub3A, %sub3A : vector<8192x32xf32>
    %reduce_sum3A = vector.shape_cast %mul3A : vector<8192x32xf32> to vector<1x8192x32xf32>
    %reduce_sum3A_5 = arith.constant dense<0.000000e+00> : vector<1xf32>
    %reduce_sum3A_6 = vector.multi_reduction <add>, %reduce_sum3A, %reduce_sum3A_5 [1, 2] : vector<1x8192x32xf32> to vector<1xf32>
    %reduce_sum3A_7 = vector.shape_cast %reduce_sum3A_6 : vector<1xf32> to vector<1x1x1xf32>
    %reduce_sum3A_8 = vector.extract %reduce_sum3A_7[0, 0, 0] : f32 from vector<1x1x1xf32>
    %div3A = arith.constant 2.621440e+05 : f32
    %div3A_9 = arith.divf %reduce_sum3A_8, %div3A : f32
    %mul3A_10 = arith.constant 2.500000e-01 : f32
    %mul3A_11 = arith.mulf %mul3A_10, %div3A_9 : f32
    %swap3A = arith.constant 0 : index
    %swap3A_12 = arith.constant 0 : index
    %swap3A_13 = memref.load %arg7[%swap3A, %swap3A_12] : memref<1x1xf32, #tpu.memory_space<smem>>
    memref.store %mul3A_11, %arg7[%swap3A, %swap3A_12] : memref<1x1xf32, #tpu.memory_space<smem>>
    %swap3A_14 = arith.constant 0 : index
    %swap3A_15 = arith.constant 0 : index
    %swap3A_16 = memref.load %arg8[%swap3A_14, %swap3A_15] : memref<1x1xf32, #tpu.memory_space<smem>>
    memref.store %div3A_9, %arg8[%swap3A_14, %swap3A_15] : memref<1x1xf32, #tpu.memory_space<smem>>
    %get3A_17 = arith.constant 0 : index
    %get3A_18 = arith.constant 0 : index
    %get3A_19 = vector.load %arg2[%get3A_17, %get3A_18] : memref<1024x128xf32, #tpu.memory_space<vmem>>, vector<1024x128xf32>
    %get3A_20 = arith.constant 0 : index
    %get3A_21 = arith.constant 0 : index
    %get3A_22 = vector.load %arg3[%get3A_20, %get3A_21] : memref<1024x128xf32, #tpu.memory_space<vmem>>, vector<1024x128xf32>
    %add3A = arith.addf %get3A_19, %get3A_22 : vector<1024x128xf32>
    %div3A_23 = arith.constant 8.192000e+03 : f32
    %div3A_24 = vector.broadcast %div3A_23 : f32 to vector<1024x128xf32>
    %div3A_25 = arith.divf %add3A, %div3A_24 : vector<1024x128xf32>
    %add3A_26 = arith.constant 1.000000e-10 : f32
    %add3A_27 = vector.broadcast %add3A_26 : f32 to vector<1024x128xf32>
    %add3A_28 = arith.addf %div3A_25, %add3A_27 : vector<1024x128xf32>
    %log3A = math.log %add3A_28 : vector<1024x128xf32>
    %mul3A_29 = arith.mulf %div3A_25, %log3A : vector<1024x128xf32>
    %reduce_sum3A_30 = vector.shape_cast %mul3A_29 : vector<1024x128xf32> to vector<1x1024x128xf32>
    %reduce_sum3A_31 = arith.constant dense<0.000000e+00> : vector<1xf32>
    %reduce_sum3A_32 = vector.multi_reduction <add>, %reduce_sum3A_30, %reduce_sum3A_31 [1, 2] : vector<1x1024x128xf32> to vector<1xf32>
    %reduce_sum3A_33 = vector.shape_cast %reduce_sum3A_32 : vector<1xf32> to vector<1x1x1xf32>
    %reduce_sum3A_34 = vector.extract %reduce_sum3A_33[0, 0, 0] : f32 from vector<1x1x1xf32>
    %neg3A = arith.constant 0.000000e+00 : f32
    %neg3A_35 = arith.subf %neg3A, %reduce_sum3A_34 : f32
    %div3A_36 = arith.constant 1.600000e+01 : f32
    %div3A_37 = arith.divf %neg3A_35, %div3A_36 : f32
    %exp3A = math.exp %div3A_37 : f32
    %swap3A_38 = arith.constant 0 : index
    %swap3A_39 = arith.constant 0 : index
    %swap3A_40 = memref.load %arg9[%swap3A_38, %swap3A_39] : memref<1x1xf32, #tpu.memory_space<smem>>
    memref.store %exp3A, %arg9[%swap3A_38, %swap3A_39] : memref<1x1xf32, #tpu.memory_space<smem>>
    %get3A_41 = arith.constant 0 : index
    %get3A_42 = arith.constant 0 : index
    %get3A_43 = memref.load %arg4[%get3A_41, %get3A_42] : memref<1x1xf32, #tpu.memory_space<smem>>
    %div3A_44 = arith.constant 8.192000e+03 : f32
    %div3A_45 = arith.divf %get3A_43, %div3A_44 : f32
    %swap3A_46 = arith.constant 0 : index
    %swap3A_47 = arith.constant 0 : index
    %swap3A_48 = memref.load %arg10[%swap3A_46, %swap3A_47] : memref<1x1xf32, #tpu.memory_space<smem>>
    memref.store %div3A_45, %arg10[%swap3A_46, %swap3A_47] : memref<1x1xf32, #tpu.memory_space<smem>>
    %get3A_49 = arith.constant 0 : index
    %get3A_50 = arith.constant 0 : index
    %get3A_51 = memref.load %arg5[%get3A_49, %get3A_50] : memref<1x1xf32, #tpu.memory_space<smem>>
    %div3A_52 = arith.constant 0x4C7FF800 : f32
    %div3A_53 = arith.divf %get3A_51, %div3A_52 : f32
    %swap3A_54 = arith.constant 0 : index
    %swap3A_55 = arith.constant 0 : index
    %swap3A_56 = memref.load %arg11[%swap3A_54, %swap3A_55] : memref<1x1xf32, #tpu.memory_space<smem>>
    memref.store %div3A_53, %arg11[%swap3A_54, %swap3A_55] : memref<1x1xf32, #tpu.memory_space<smem>>
    %get3A_57 = arith.constant 0 : index
    %get3A_58 = arith.constant 0 : index
    %get3A_59 = memref.load %arg6[%get3A_57, %get3A_58] : memref<1x1xf32, #tpu.memory_space<smem>>
    %max3A = arith.constant 0.000000e+00 : f32
    %max3A_60 = arith.maximumf %get3A_59, %max3A : f32
    %sqrt3A = math.sqrt %max3A_60 : f32
    %swap3A_61 = arith.constant 0 : index
    %swap3A_62 = arith.constant 0 : index
    %swap3A_63 = memref.load %arg12[%swap3A_61, %swap3A_62] : memref<1x1xf32, #tpu.memory_space<smem>>
    memref.store %sqrt3A, %arg12[%swap3A_61, %swap3A_62] : memref<1x1xf32, #tpu.memory_space<smem>>
    return
  }
}

</mosaic_0001>

<sc_bundles>
// kernel: kernel.7.cloned.1.call-start
scs
__scs_entry_jumppad:
0x0: {  	(pc) =	sbr.rel $0x88, $3  }
0x1: {  	(tag) =	ssettag $0x0;
	lr =	simm.s32 $0x1  }
0x2: {  	[smem:$0x3F9F] =	sst lr;
	_ =	strace $0xD0000000  }
0x3: {  	_ = 	snop  }
0x4: {  	_ = 	snop  }
0x5: {  	_ = 	snop  }
0x6: {  	_ = 	snop  }
0x7: {  	_ = 	snop  }
__scs_overlays_trampoline_lowered:
0x8: {  	[smem:$0x3FAE] =	sst s0  }
0x9: {  	[smem:$0x3FAF] =	sst s1  }
0xa: {  	[smem:$0x3FB0] =	sst s2  }
0xb: {  	[smem:$0x3FB1] =	sst s3  }
0xc: {  	[smem:$0x3FB2] =	sst s4  }
0xd: {  	[smem:$0x3FB3] =	sst s5  }
0xe: {  	[smem:$0x3FB4] =	sst s6  }
0xf: {  	[smem:$0x3FB5] =	sst s7  }
0x10: {  	[smem:$0x3FB6] =	sst s8  }
0x11: {  	[smem:$0x3FB7] =	sst s9;
	s0 =	simm.s32 @!p0 $0x0  }
0x12: {  	s1 =	sld [smem:$0x3F9D];
	s0 =	simm.s32 @p0 $0x1  }
0x13: {  	[smem:$0x3FB8] =	sst s0;
	s0 =	simm.s32 @!p1 $0x0  }
0x14: {  	s2 =	sld [smem:$0x3F9C];
	s0 =	simm.s32 @p1 $0x1  }
0x15: {  	[smem:$0x3FB9] =	sst s0;
	s0 =	simm.s32 @!p2 $0x0  }
0x16: {  	s3 =	sld [smem:$0x3FDB];
	s0 =	simm.s32 @p2 $0x1  }
0x17: {  	s4 =	simm.s32 $0x1BF5;
	[smem:$0x3FBB] =	sst s0  }
0x18: {  	s0 =	sld [smem:$0x3F9E];
	_ =	swait.ge [sflag:s4], $0x0  }
0x19: {  	s7 =	sld [smem:$0x3F9F]  }
0x1a: {  	s8 =	sadd.s32 $0xFFFFE003, lr  }
0x1b: {  	s9 =	sadd.s32 $0xFFFFFEF7, lr;
	s5 =	simm.s32 $0xFFFFFFFF;
	p2 =	slt.u32 s8, $0xFFFFF086  }
0x1c: {  	p1 =	slt.u32 s9, $0xF7A;
	s5 =	simm.s32 @!p2 $0x0  }
0x1d: {  	s5 =	simm.s32 @p1 $0x1;
	p0 =	seq.s32 s7, s2  }
0x1e: {  	s7 =	smul.u32 @!p0 $0xF7A, s2;
	p2 =	seq.s32 @!p0 s5, $0x0  }
0x1f: {  	s9 =	smul.u32 $0xF7A, s1;
	s8 =	simm.s32 @!p0 $0x1BF5;
	p2 =	por !p2, p0  }
0x20: {  	[sflag:s8] =	ssyncset.s32 @!p0 $0xFFFFF086;
	s6 =	sadd.s32 @!p0 s3, s7;
	s7 =	simm.s32 @!p0 $0x108  }
0x21: {  	s3 =	sadd.s32 s3, s9;
	s6 =	sadd.s32 @!p0 $0x88, s6;
	s7 =	simm.s32 @p2 $0x1082  }
0x22: {  	[simem:s7], [sflag:s8] =	dma.local @!p0 [hbm:s6], $0xF7A  }
0x23: {  	s9 =	sor.u32 $0xD0000000, s2;
	s6 =	simm.s32 $0x108;
	_ =	swait.ge @!p0 [sflag:s8], $0x0  }
0x24: {  	s3 =	sadd.s32 $0x88, s3;
	s6 =	simm.s32 @!p1 $0x1082;
	[sflag:s4] =	ssyncset.s32 $0xFFFFF086  }
0x25: {  	[simem:s6], [sflag:s4] =	dma.local [hbm:s3], $0xF7A  }
0x26: {  	[smem:$0x3F9F] =	sst s1;
	(tag) =	ssettag s2;
	_ =	strace s9  }
0x27: {  	s1 =	sld [smem:$0x3FAF]  }
0x28: {  	s2 =	sld [smem:$0x3FB0]  }
0x29: {  	s4 =	sld [smem:$0x3FB2]  }
0x2a: {  	p0 =	seq.s32 s5, $0x0;
	s5 =	sld [smem:$0x3FB3]  }
0x2b: {  	s6 =	sld [smem:$0x3FB4]  }
0x2c: {  	s7 =	sld [smem:$0x3FB5]  }
0x2d: {  	s3 =	simm.s32 $0x108;
	s8 =	sld [smem:$0x3FB6]  }
0x2e: {  	s3 =	simm.s32 @!p0 $0x1082;
	s9 =	sld [smem:$0x3FB7]  }
0x2f: {  	lr =	sadd.s32 s0, s3;
	s0 =	sld [smem:$0x3FAE]  }
0x30: {  	s3 =	sld [smem:$0x3FB1]  }
0x31: {  	[smem:$0x3FBA] =	sst s10  }
0x32: {  	s10 =	sld [smem:$0x3FB8];
	_ =	sdelay $0x3  }
0x33: {  	p0 =	seq.s32 s10, $0x1;
	s10 =	sld [smem:$0x3FBA];
	_ =	sdelay $0x3  }
0x34: {  	[smem:$0x3FBA] =	sst s10  }
0x35: {  	s10 =	sld [smem:$0x3FB9];
	_ =	sdelay $0x3  }
0x36: {  	p1 =	seq.s32 s10, $0x1;
	s10 =	sld [smem:$0x3FBA];
	_ =	sdelay $0x3  }
0x37: {  	[smem:$0x3FBA] =	sst s10  }
0x38: {  	s10 =	sld [smem:$0x3FBB]  }
0x39: {  	_ = 	snop;
	(pc) =	sbr.ind lr, $3  }
0x3a: {  	_ = 	snop  }
0x3b: {  	_ = 	snop  }
0x3c: {  	p2 =	seq.s32 s10, $0x1;
	s10 =	sld [smem:$0x3FBA]  }
0x3d: {  	_ =	shalt  }
0x3e: {  	_ =	shalt  }
0x3f: {  	_ =	shalt  }
0x40: {  	_ =	shalt  }
0x41: {  	_ =	shalt  }
0x42: {  	_ =	shalt  }
0x43: {  	_ =	shalt  }
0x44: {  	_ =	shalt  }
0x45: {  	_ =	shalt  }
0x46: {  	_ =	shalt  }
0x47: {  	_ =	shalt  }
0x48: {  	_ =	shalt  }
0x49: {  	_ =	shalt  }
0x4a: {  	_ =	shalt  }
0x4b: {  	_ =	shalt  }
0x4c: {  	_ =	shalt  }
0x4d: {  	_ =	shalt  }
0x4e: {  	_ =	shalt  }
0x4f: {  	_ =	shalt  }
0x50: {  	_ =	shalt  }
0x51: {  	_ =	shalt  }
0x52: {  	_ =	shalt  }
0x53: {  	_ =	shalt  }
0x54: {  	_ =	shalt  }
0x55: {  	_ =	shalt  }
0x56: {  	_ =	shalt  }
0x57: {  	_ =	shalt  }
0x58: {  	_ =	shalt  }
0x59: {  	_ =	shalt  }
0x5a: {  	_ =	shalt  }
0x5b: {  	_ =	shalt  }
0x5c: {  	_ =	shalt  }
0x5d: {  	_ =	shalt  }
0x5e: {  	_ =	shalt  }
0x5f: {  	_ =	shalt  }
0x60: {  	_ =	shalt  }
0x61: {  	_ =	shalt  }
0x62: {  	_ =	shalt  }
0x63: {  	_ =	shalt  }
0x64: {  	_ =	shalt  }
0x65: {  	_ =	shalt  }
0x66: {  	_ =	shalt  }
0x67: {  	_ =	shalt  }
0x68: {  	_ =	shalt  }
0x69: {  	_ =	shalt  }
0x6a: {  	_ =	shalt  }
0x6b: {  	_ =	shalt  }
0x6c: {  	_ =	shalt  }
0x6d: {  	_ =	shalt  }
0x6e: {  	_ =	shalt  }
0x6f: {  	_ =	shalt  }
0x70: {  	_ =	shalt  }
0x71: {  	_ =	shalt  }
0x72: {  	_ =	shalt  }
0x73: {  	_ =	shalt  }
0x74: {  	_ =	shalt  }
0x75: {  	_ =	shalt  }
0x76: {  	_ =	shalt  }
0x77: {  	_ =	shalt  }
0x78: {  	_ =	shalt  }
0x79: {  	_ =	shalt  }
0x7a: {  	_ =	shalt  }
0x7b: {  	_ =	shalt  }
0x7c: {  	_ =	shalt  }
0x7d: {  	_ =	shalt  }
0x7e: {  	_ =	shalt  }
0x7f: {  	_ =	shalt  }
0x80: {  	_ =	shalt  }
0x81: {  	_ =	shalt  }
0x82: {  	_ =	shalt  }
0x83: {  	_ =	shalt  }
0x84: {  	_ =	shalt  }
0x85: {  	_ =	shalt  }
0x86: {  	_ =	shalt  }
0x87: {  	_ =	shalt  }
.Lfunc_end0:
.L_simem_size_0:
called_computation_lowered:
.L_overlay_start_0:
0x88: {  	s2 =	sld [smem:$0x3FD9]  }
0x89: {  	s3 =	sld [smem:$0x3FFE];
	_ =	sdelay $0x1  }
0x8a: {  	s1 =	srdreg.scid  }
0x8b: {  	s0 =	sand.u32 $0x1, s1  }
0x8c: {  	s14 =	sshll.u32 s0, $0xA;
	s2 =	sadd.s32 s3, s2  }
0x8d: {  	s2 =	sadd.s32 s2, s14  }
0x8e: {  	[smem:$0x3FC6] =	sst s2  }
0x8f: {  	_ = 	snop  }
0x90: {  	s2 =	sld [smem:$0x3FD0];
	_ =	sdelay $0x2  }
0x91: {  	s15 =	simm.s32 $0xA;
	s4 =	simm.s32 $0x10  }
0x92: {  	[smem:s4], [sflag:s15] =	dma.local [hbm:s2], $0x1  }
0x93: {  	_ =	swait.eq [sflag:s15], $0x1  }
0x94: {  	[sflag:s15] =	ssyncset.done $0x0  }
0x95: {  	s16 =	sld [smem:$0x10];
	[sflag:s15] =	ssyncadd.s32 $0xFFFFFFFF  }
0x96: {  	s17 =	sld [smem:$0x11];
	(tm) =	ssettm $0x1  }
0x97: {  	s18 =	sld [smem:$0x3FFB];
	_ =	sdelay $0x3  }
0x98: {  	_ =	strace s18  }
0x99: {  	s4 =	sld [smem:$0x3FFC];
	_ =	sdelay $0x3  }
0x9a: {  	_ =	strace s4  }
0x9b: {  	s4 =	sld [smem:$0x3FFD];
	_ =	sdelay $0x3  }
0x9c: {  	_ =	strace s4  }
0x9d: {  	_ =	strace $0x8FFFFFFF  }
0x9e: {  	s19 =	sld [smem:$0x3FDB];
	_ =	sdelay $0x1  }
0x9f: {  	s5 =	simm.s32 $_scs_section_size  }
0xa0: {  	s6 =	simm.s32 $_size__tile_overlayer_lowered;
	s7 =	simm.s32 $_tile_overlayer_lowered  }
0xa1: {  	s22 =	simm.s32 $0x1BFF;
	s21 =	sshll.u32 s7, $0x1;
	s4 =	sadd.s32 s5, s19  }
0xa2: {  	s8 =	simm.s32 $0x0;
	s20 =	sshll.u32 s6, $0x1;
	s6 =	sadd.s32 s21, s4  }
0xa3: {  	[timem:s8], [sflag:s22] =	dma.local [hbm:s6], s20  }
0xa4: {  	_ =	swait.ge [sflag:s22], s20  }
0xa5: {  	s5 =	ssub.s32 $0x0, s20;
	[sflag:s22] =	ssyncset.done $0x0  }
0xa6: {  	[sflag:s22] =	ssyncadd.s32 s5;
	_ =	sdelay $0x1  }
0xa7: {  	s23 =	simm.s32 $0x1B8B  }
0xa8: {  	_ =	swait.ge [sflag:s23], $0x1  }
0xa9: {  	[sflag:s23] =	ssyncset.done $0x0  }
0xaa: {  	s25 =	simm.s32 $0x1B8E;
	s24 =	sld [smem:$0x3FFE];
	[sflag:s23] =	ssyncadd.s32 $0xFFFFFFFF  }
0xab: {  	s26 =	simm.s32 $execute0_lowered;
	[smem:$0x3FD2] =	sst s25  }
0xac: {  	s6 =	sshll.u32 s26, $0x1;
	_ =	strace $0x80000046;
	[dreg:$0x1] =	wrdreg $0xFFFFFFFF  }
0xad: {  	s28 =	simm.s32 $_size_execute0_lowered;
	s4 =	sadd.s32 s4, s6;
	[dreg:$0x0] =	wrdreg $0x0  }
0xae: {  	s6 =	sshll.u32 s28, $0x1;
	[dreg:$0x2] =	wrdreg s4  }
0xaf: {  	[dreg:$0x3] =	wrdreg s6  }
0xb0: {  	[dreg:$0x4] =	wrdreg $0xC0  }
0xb1: {  	_ =	task [dreg:s8], $0x5FFFF  }
0xb2: {  	[dreg:$0x1] =	wrdreg $0xFFFFFFFF  }
0xb3: {  	[dreg:$0x0] =	wrdreg $0x60  }
0xb4: {  	[dreg:$0x2] =	wrdreg s16  }
0xb5: {  	[dreg:$0x3] =	wrdreg s17  }
0xb6: {  	[dreg:$0x4] =	wrdreg s24  }
0xb7: {  	[dreg:$0x5] =	wrdreg $0x49000  }
0xb8: {  	[dreg:$0x6] =	wrdreg $0x9  }
0xb9: {  	_ =	task.clear_ibuf [dreg:s8], $0x7FFFF;
	_ =	strace $0x90000046  }
0xba: {  	s29 =	simm.s32 $0x9;
	_ =	strace $0x80000048  }
0xbb: {  	_ =	swait.ge [sflag:s29], $0x1  }
0xbc: {  	[sflag:s29] =	ssyncadd.s32 $0xFFFFFFFF  }
0xbd: {  	_ =	strace $0x90000048  }
0xbe: {  	_ =	sfence  }
0xbf: {  	s30 =	sld [smem:$0x0];
	_ =	sdelay $0x2  }
0xc0: {  	s31 =	sshll.u32 s1, $0xD;
	s1 =	sshrl.u32 s1, $0x2  }
0xc1: {  	s3 =	sand.u32 $0x4000, s31;
	s1 =	sadd.s32 s1, s30  }
0xc2: {  	s0 =	sor.u32 s3, s0;
	s1 =	sshll.u32 s1, $0x11  }
0xc3: {  	s0 =	sor.u32 s1, s0  }
0xc4: {  	s0 =	sadd.s32 $0x8F2B, s0  }
0xc5: {  	[sflag:s0] =	ssyncadd.remote.s32 $0x1  }
0xc6: {  	_ =	sfence.sel $0xFFFF  }
0xc7: {  	[dreg:$0x0] =	wrdreg $0xFFFFFFFF;
	(pc) =	sbr.abs _section_cstart, $3  }
0xc8: {  	[dreg:$0x1] =	wrdreg $0xFFFFFFFF  }
0xc9: {  	_ =	task.clear_ibuf [dreg:s8], $0x2FFFF;
	_ =	strace $0x9FFFFFFF  }
0xca: {  	(tm) =	ssettm $0x7FFFFFFF  }
0xcb: {  	_ =	shalt  }
tec
execute0_lowered:
.L_overlay_start_1:
0x0: {  	(tag) =	ssettag $0x1  }
0x1: {  	s1 =	rddreg [dreg:$0x0]  }
0x2: {  	s5 =	rddreg [dreg:$0x1]  }
0x3: {  	s6 =	rddreg [dreg:$0x2]  }
0x4: {  	s3 =	rddreg [dreg:$0x3]  }
0x5: {  	s0 =	rddreg [dreg:$0x4];
	s4 =	simm.s32 $0x0;
	s7 =	srdreg.scid  }
0x6: {  	s2 =	stileid.u32;
	s13 =	simm.s32 $0x1100;
	s14 =	simm.s32 $0x2900  }
0x7: {  	s15 =	simm.s32 $0x2100;
	s18 =	simm.s32 $0x1;
	s19 =	simm.s32 $0x0  }
0x8: {  	[smem:$0x7FF] =	sst s4;
	s7 =	sand.u32 $0x1, s7;
	s8 =	sshll.u32 s2, $0x1  }
0x9: {  	s10 =	sshll.u32 s2, $0xD;
	s16 =	sshll.u32 s2, $0x6;
	_ =	strace $0x80000047  }
0xa: {  	s8 =	sor.u32 s7, s8;
	s11 =	sshll.u32 s7, $0x11;
	s7 =	ssub.s32 $0x2, s7  }
0xb: {  	s16 =	sor.u32 $0x1C02, s16;
	s9 =	sshll.u32 s8, $0xA;
	s11 =	sor.u32 s10, s11  }
0xc: {  	s12 =	sshrl.u32 s7, $0x1;
	s8 =	sshll.u32 s8, $0x5;
	s9 =	sadd.s32 s9, s6  }
0xd: {  	s11 =	sshrl.u32 s11, $0x3;
	s12 =	ssub.s32 s7, s12;
	s5 =	sadd.s32 s5, s8  }
0xe: {  	s11 =	sadd.s32 s11, s6;
	s6 =	sadd.s32 s10, s3;
	s8 =	sadd.s32 $0x1800, s9  }
0xf: {  	s9 =	smax.u32 s12, $0x1;
	s10 =	simm.s32 $0x2;
	s12 =	simm.s32 $0x100  }
0x10: {  	v0 =	vimm.f32 $0.0e+00;
	v1 =	vimm.f32 $1.000000000e+00;
	s7 =	sadd.s32 $0x9800, s11;
	s11 =	simm.s32 $0x80;
	s17 =	sshrl.u32 s6, $0x3  }
.LBB2_1:
0x11: {  	[tilespmem:s4], [sflag:$0x2] =	stream.linear.gather [hbm4b:s5+s4], $0x100, $0x38;
	[tilespmem:$0x6900] =	vst v63  }
0x12: {  	_ =	swait.ge [sflag:s10], $0x100  }
0x13: {  	[sflag:s10] =	ssyncset.done $0x0  }
0x14: {  	[sflag:s10] =	ssyncadd.s32 $0xFFFFFF00  }
0x15: {  	[tilespmem:s12], [sflag:$0x1] =	stream.indirect.gather [hbm4b:s1+s11], $0x20, s4, s11, $0xb8;
	[tilespmem:$0x6900] =	vst v63  }
0x16: {  	s20 =	simm.s32 $0x0  }
0x17: {  	[tilespmem:s13], [sflag:$0x1] =	stream.indirect.gather [hbm4b:s1+s11], $0x20, s11, s11, $0xb8;
	[tilespmem:$0x6900] =	vst v63  }
.LBB2_2:
0x18: {  	p0 =	sne.s32 s20, $0x7FC0  }
.Ltmp0:
0x19: {  	_ = 	snop;
	(pc) =	sbr.rel @p0 .LBB2_2-.Ltmp0, $3  }
0x1a: {  	_ =	sdelay $0x1  }
0x1b: {  	s21 =	sshra.s32 s20, $0x2  }
0x1c: {  	s20 =	sadd.s32 $0x40, s20;
	[tilespmem:s21+$0x2900] =	vst v0  }
0x1d: {  	s20 =	simm.s32 $0x40;
	s21 =	simm.s32 $0x0  }
.LBB2_4:
0x1e: {  	p0 =	sne.s32 s20, $0x1FC0;
	[tilespmem:s21+$0x2100] =	vst v1;
	s21 =	smov.u32 s20;
	s20 =	sadd.s32 $0x40, s20  }
.Ltmp1:
0x1f: {  	(pc) =	sbr.rel @p0 .LBB2_4-.Ltmp1, $2  }
0x20: {  	_ =	sdelay $0x2  }
0x21: {  	s21 =	sshra.s32 s21, $0x2  }
0x22: {  	[tilespmem:s21+$0x2100] =	vst v1  }
0x23: {  	[spmem:s6] =	stream.linear.scatter [tilespmem:s14], [sflag:$0x2], $0x2000, $0x38;
	[tilespmem:$0x6900] =	vst v63  }
0x24: {  	_ =	swait.ge [sflag:s10], $0x2000  }
0x25: {  	[sflag:s10] =	ssyncset.done $0x0  }
0x26: {  	[sflag:s10] =	ssyncadd.s32 $0xFFFFE000  }
0x27: {  	[bflag:$0x0] =	sbarrier.arrive $0xFFFF  }
0x28: {  	[spmem:s3] =	stream.indirect.scatter.add.f32 [tilespmem:s15], [sflag:$0x2], $0x10, s4, s11, $0xb8;
	[tilespmem:$0x6900] =	vst v63  }
0x29: {  	_ =	swait.ge [sflag:s10], $0x800  }
0x2a: {  	[sflag:s10] =	ssyncset.done $0x0  }
0x2b: {  	[sflag:s10] =	ssyncadd.s32 $0xFFFFF800  }
0x2c: {  	[spmem:s3] =	stream.indirect.scatter.add.f32 [tilespmem:s15], [sflag:$0x2], $0x10, s11, s11, $0xb8;
	[tilespmem:$0x6900] =	vst v63  }
0x2d: {  	_ =	swait.ge [sflag:s10], $0x800  }
0x2e: {  	[sflag:s10] =	ssyncset.done $0x0  }
0x2f: {  	[sflag:s10] =	ssyncadd.s32 $0xFFFFF800  }
0x30: {  	[bflag:$0x0] =	sbarrier.arrive $0xFFFF  }
0x31: {  	[hbm:s7], [sflag:s16] =	dma.local [spmem:s17], $0x400  }
0x32: {  	_ =	swait.ge [sflag:s10], $0x400  }
0x33: {  	[sflag:s10] =	ssyncset.done $0x0  }
0x34: {  	[sflag:s10] =	ssyncadd.s32 $0xFFFFFC00  }
0x35: {  	_ =	swait.ge [sflag:s18], $0x1000  }
0x36: {  	[sflag:s18] =	ssyncset.done $0x0  }
0x37: {  	[sflag:s18] =	ssyncadd.s32 $0xFFFFF000  }
0x38: {  	s19 =	sadd.s32 $0x1, s19;
	_ =	swait.ge [sflag:s18], $0x1000  }
0x39: {  	p0 =	sne.s32 s19, s9;
	[sflag:s18] =	ssyncset.done $0x0  }
.Ltmp2:
0x3a: {  	[sflag:s18] =	ssyncadd.s32 $0xFFFFF000;
	(pc) =	sbr.rel @p0 .LBB2_1-.Ltmp2, $4  }
0x3b: {  	[hbm4b:s8+s4] =	stream.linear.scatter [tilespmem:s12], [sflag:$0x2], $0x2000, $0x38;
	[tilespmem:$0x6900] =	vst v63  }
0x3c: {  	_ =	swait.ge [sflag:s10], $0x2000  }
0x3d: {  	[sflag:s10] =	ssyncset.done $0x0  }
0x3e: {  	[sflag:s10] =	ssyncadd.s32 $0xFFFFE000  }
0x3f: {  	_ =	sfence.sel $0x180000  }
0x40: {  	[bflag:$0x0] =	sbarrier.arrive $0xFFFF  }
0x41: {  	p0 =	sne.s32 s2, $0x0;
	_ =	strace $0x90000047  }
0x42: {  	s0 =	sadd.s32 @!p0 $0x100000, s0;
	[bflag:$0x2] =	sbarrier.arrive $0xFFFF  }
0x43: {  	[sflag:s0] =	ssyncadd.tile.s32 @!p0 $0x1;
	_ =	shalt  }
.Lfunc_end2:
_tile_overlayer_lowered:
.L_overlay_start_2:
0x44: {  	(tag) =	ssettag $0x2  }
0x45: {  	s0 =	rddreg [dreg:$0x0];
	s2 =	stileid.u32  }
0x46: {  	s1 =	rddreg [dreg:$0x1];
	p0 =	sne.s32 s2, $0x0  }
0x47: {  	s3 =	rddreg [dreg:$0x2];
	[bflag:$0x3] =	sbarrier.arrive $0xFFFF;
	s2 =	simm.s32 @!p0 $0x1C02  }
0x48: {  	[timem:s3], [sflag:s2] =	dma.local @!p0 [hbm:s0], s1  }
0x49: {  	s0 =	simm.s32 @!p0 $0x2  }
0x4a: {  	_ =	swait.ge @!p0 [sflag:s0], s1  }
0x4b: {  	s1 =	ssub.s32 @!p0 $0x0, s1;
	[sflag:s0] =	ssyncset.done @!p0 $0x0  }
0x4c: {  	[sflag:s0] =	ssyncadd.s32 @!p0 s1  }
0x4d: {  	[bflag:$0x3] =	sbarrier.arrive $0xFFFF  }
0x4e: {  	_ =	shalt  }

</sc_bundles>
